<compile_context>
chip_gen: v7x
topology: tpu7x:2x2x1
jax: 0.10.2.dev20260603
libtpu: 0.0.44.dev20260713+nightly
codegen_flags: <defaults>
</compile_context>

<pallas_src>
import functools

import jax
import jax.numpy as jnp
from jax import lax
from jax.experimental import pallas as pl
from jax.experimental.pallas import tpu as pltpu
from jax.experimental.pallas import tpu_sc as plsc

MB = 5
NOCT = 24
K = NOCT << MB
EMIN = 112
SH = 23 - MB
PB = 8
CNT1 = 1 << 19
HSZ = 2 * K
NSTRIPE = 16
STRIDE = HSZ + 1
HIST = STRIDE * NSTRIPE
NCORE = 2
NSUB = 16
NW = NCORE * NSUB
C = 21
B = 4
HW = 512 * 512
PXT = (B * HW) // NW


def _sc_hist_body(probas_hbm, labels_hbm, out_hbm, hist_v, lab_v, pbuf_v,
                  obuf_v, dsem):
    cid = lax.axis_index("c")
    sid = lax.axis_index("s")
    wid = cid * NSUB + sid
    b = wid // 8
    hw0 = (wid % 8) * PXT

    def poff(c):
        return (b * C + c) * HW + hw0

    pltpu.async_copy(probas_hbm.at[pl.ds(poff(0), PXT)],
                     pbuf_v.at[pl.ds(0, PXT)], dsem)

    pltpu.sync_copy(labels_hbm.at[pl.ds(wid * PXT, PXT)], lab_v)

    lane = lax.iota(jnp.int32, 16)
    lane_base = lane * STRIDE
    zeros16 = jnp.zeros((16,), jnp.int32)

    def zero_body(o, carry):
        hist_v[pl.ds(o * 16, 16)] = zeros16
        return carry

    lax.fori_loop(0, HIST // 16, zero_body, 0)

    def class_body(c, carry):
        slot = (c % 2) * PXT
        pltpu.make_async_copy(probas_hbm.at[pl.ds(0, PXT)],
                              pbuf_v.at[pl.ds(slot, PXT)], dsem).wait()

        @pl.when(c + 1 < C)
        def _():
            nslot = ((c + 1) % 2) * PXT
            pltpu.async_copy(probas_hbm.at[pl.ds(poff(c + 1), PXT)],
                             pbuf_v.at[pl.ds(nslot, PXT)], dsem)

        def px_body(i, inner):
            o = slot + i * 128
            ps = [pbuf_v[pl.ds(o + u * 16, 16)] for u in range(8)]
            lo = i * 128
            labs = [lab_v[pl.ds(lo + u * 16, 16)] for u in range(8)]
            eps = [jnp.exp(p) for p in ps]
            msks = [lab == c for lab in labs]
            errs = [jnp.abs(jnp.where(m, 1.0 - e, e))
                    for m, e in zip(msks, eps)]
            bits = [lax.bitcast_convert_type(e, jnp.int32) for e in errs]
            keys = [jnp.minimum(jnp.maximum((bt >> SH) - (EMIN << MB), 0),
                                K - 1) for bt in bits]
            vals = [CNT1 + ((bt >> (SH - PB)) & ((1 << PB) - 1))
                    for bt in bits]
            idxs = [lane_base + jnp.where(m, ky, ky + K)
                    for m, ky in zip(msks, keys)]
            for u in range(8):
                plsc.addupdate_scatter(hist_v, [idxs[u]], vals[u])
            return inner

        lax.fori_loop(0, PXT // 128, px_body, 0)

        def red_body(g, inner):
            acc_c = zeros16
            acc_d = zeros16
            for j in range(NSTRIPE):
                sl = pl.ds(j * STRIDE + g * 16, 16)
                v = hist_v[sl]
                acc_c = acc_c + (v >> 19)
                acc_d = acc_d + (v & (CNT1 - 1))
                hist_v[sl] = zeros16
            obuf_v[pl.ds(g * 16, 16)] = acc_c
            obuf_v[pl.ds(HSZ + g * 16, 16)] = acc_d
            return inner

        lax.fori_loop(0, HSZ // 16, red_body, 0)
        pltpu.sync_copy(obuf_v,
                        out_hbm.at[pl.ds((c * NW + wid) * (2 * HSZ), 2 * HSZ)])
        return carry

    lax.fori_loop(0, C, class_body, 0)


def _tc_post_body(hist_ref, out_ref):
    x = hist_ref[...].astype(jnp.float32)
    t = jnp.sum(x, axis=1)
    m = t[:, 0:K]
    kn = t[:, K:2 * K]
    sdp = t[:, HSZ:HSZ + K]
    sdn = t[:, HSZ + K:2 * HSZ]

    kidx = jax.lax.broadcasted_iota(jnp.int32, (1, K), 1) + (EMIN << MB)
    vlo = lax.bitcast_convert_type(kidx << SH, jnp.float32)
    pow2 = lax.bitcast_convert_type((kidx >> MB) << 23, jnp.float32)
    lsb = pow2 * (2.0 ** (-MB - PB))
    Sp = m * vlo + (sdp + 0.5 * m) * lsb
    Sn = kn * vlo + (sdn + 0.5 * kn) * lsb

    n = m + kn
    gts = jnp.sum(m)

    rows = lax.broadcasted_iota(jnp.int32, (K, K), 0)
    cols = lax.broadcasted_iota(jnp.int32, (K, K), 1)
    above = (rows > cols).astype(jnp.float32)
    i_hi = jax.lax.dot_general(n, above, (((1,), (0,)), ((), ())),
                               precision=lax.Precision.HIGHEST,
                               preferred_element_type=jnp.float32)
    F_hi = jax.lax.dot_general(m, above, (((1,), (0,)), ((), ())),
                               precision=lax.Precision.HIGHEST,
                               preferred_element_type=jnp.float32)

    i0, F0 = i_hi, F_hi
    i1, F1 = i_hi + n, F_hi + m
    D0 = gts + i0 - F0
    D1 = gts + i1 - F1
    J0 = jnp.where(i0 > 0, i0 / jnp.maximum(D0, 1e-9), 0.0)
    J1 = jnp.where(i1 > 0, i1 / jnp.maximum(D1, 1e-9), 0.0)
    dJ = jnp.maximum(J1 - J0, 0.0)
    Dbar = jnp.maximum(D0 + 0.5 * kn, 0.5)
    gp = jnp.minimum(jnp.where(m > 0, m / Dbar, 0.0), dJ)
    gn = dJ - gp
    epos = Sp / jnp.maximum(m, 1.0)
    eneg = Sn / jnp.maximum(kn, 1.0)
    loss = jnp.sum(epos * gp + eneg * gn)
    present = (gts > 0).astype(jnp.float32)

    lanes = lax.broadcasted_iota(jnp.int32, (1, 1, 128), 2)
    out_ref[...] = jnp.where(lanes == 0, loss,
                             jnp.where(lanes == 1, present, 0.0))


def kernel(probas, labels):
    probas_flat = probas.reshape(-1)
    labels_flat = labels.reshape(-1)

    mesh = plsc.VectorSubcoreMesh(core_axis_name="c", subcore_axis_name="s")
    sc_hist = functools.partial(
        pl.kernel,
        mesh=mesh,
        compiler_params=pltpu.CompilerParams(needs_layout_passes=False),
        out_type=jax.ShapeDtypeStruct((C * NW * 2 * HSZ,), jnp.int32),
        scratch_types=[
            pltpu.VMEM((HIST,), jnp.int32),
            pltpu.VMEM((PXT,), jnp.int32),
            pltpu.VMEM((2 * PXT,), jnp.float32),
            pltpu.VMEM((2 * HSZ,), jnp.int32),
            pltpu.SemaphoreType.DMA,
        ],
    )(_sc_hist_body)
    hist = sc_hist(probas_flat, labels_flat)

    per_class = pl.pallas_call(
        _tc_post_body,
        grid=(C,),
        in_specs=[pl.BlockSpec((1, NW, 2 * HSZ), lambda c: (c, 0, 0))],
        out_specs=pl.BlockSpec((1, 1, 128), lambda c: (c, 0, 0)),
        out_shape=jax.ShapeDtypeStruct((C, 1, 128), jnp.float32),
    )(hist.reshape(C, NW, 2 * HSZ))

    losses = per_class[:, 0, 0]
    pres = per_class[:, 0, 1]
    return jnp.sum(losses * pres) / jnp.maximum(jnp.sum(pres), 1.0)

# --- scband reference (transcript-rebuilt; emitter-appended) ---
"""Pipeline reference for scband-lovasz-softmax-27178553049648 (READ-ONLY COPY).

The authoritative reference and input builder live on the scoring server;
editing this copy changes nothing except your own understanding.
"""

import jax, jax.numpy as jnp
import numpy as np


def _lovasz_grad(gt_sorted):
    gts = jnp.sum(gt_sorted)
    intersection = gts - jnp.cumsum(gt_sorted)
    union = gts + jnp.cumsum(1.0 - gt_sorted)
    jaccard = 1.0 - intersection / union
    jaccard = jnp.concatenate([jaccard[:1], jaccard[1:] - jaccard[:-1]])
    return jaccard


def _lovasz_softmax_flat(probas_flat, labels_flat, num_classes):
    # probas_flat: [P, C] positive class scores, labels_flat: [P] int
    def per_class(c, prob_c):
        fg = (labels_flat == c).astype(probas_flat.dtype)
        errors = jnp.abs(fg - prob_c)
        perm = jnp.argsort(-errors)  # descending sort of errors
        errors_sorted = errors[perm]
        fg_sorted = fg[perm]
        loss_c = jnp.dot(errors_sorted, _lovasz_grad(fg_sorted))
        present = jnp.sum(fg) > 0
        return loss_c, present

    losses, present = jax.vmap(per_class)(jnp.arange(num_classes), probas_flat.T)
    present_f = present.astype(probas_flat.dtype)
    denom = jnp.maximum(jnp.sum(present_f), 1.0)
    # classes='present': mean of loss over classes that appear in labels
    return jnp.sum(losses * present_f) / denom


def setup_inputs(seed: int = 0) -> dict:
    key = jax.random.key(seed)
    k1, k2 = jax.random.split(key)
    probas = jax.random.normal(k1, (4, 21, 512, 512), dtype=jnp.float32)
    labels = jax.random.randint(k2, (4, 512, 512), 0, 21, dtype=jnp.int32)
    return {"probas": probas, "labels": labels}


def reference(probas, labels):
    # forward applies .exp() before lovasz_softmax (probas are log-space scores)
    probs = jnp.exp(probas)
    B, C, H, W = probs.shape
    probas_flat = jnp.transpose(probs, (0, 2, 3, 1)).reshape(-1, C)
    labels_flat = labels.reshape(-1)
    return _lovasz_softmax_flat(probas_flat, labels_flat, C)

if __name__ == "__main__":
    import jax
    _d = setup_inputs()
    print(jax.jit(kernel)(*tuple(_d.values())))

</pallas_src>

<mosaic_0001>
#map = affine_map<(d0, d1) -> (0)>
module attributes {stable_mosaic.version = 14 : i64} {
  func.func @_sc_hist_body(%arg0: i32, %arg1: i32, %arg2: memref<22020096xf32, #tpu.memory_space<hbm>>, %arg3: memref<1048576xi32, #tpu.memory_space<hbm>>, %arg4: memref<2064384xi32, #tpu.memory_space<hbm>>, %arg5: memref<24592xi32, #tpu.memory_space<vmem>>, %arg6: memref<32768xi32, #tpu.memory_space<vmem>>, %arg7: memref<65536xf32, #tpu.memory_space<vmem>>, %arg8: memref<3072xi32, #tpu.memory_space<vmem>>, %arg9: memref<!tpu.dma_semaphore, #tpu.memory_space<semaphore_mem>>) attributes {dimension_semantics = [#tpu.dimension_semantics<core_parallel>, #tpu.dimension_semantics<subcore_parallel>], iteration_bounds = array<i64: 2, 16>, scalar_prefetch = 0 : i64, scratch_operands = 5 : i64, tpu.core_type = #tpu.core_type<sc_vector_subcore>, window_params = [{transform_indices = #map}, {transform_indices = #map}, {transform_indices = #map}]} {
    %mul3A = arith.constant 16 : i32
    %mul3A_0 = arith.muli %arg0, %mul3A : i32
    %add3A = arith.addi %mul3A_0, %arg1 : i32
    %jit3A = arith.constant 8 : i32
    %div3A = arith.divsi %add3A, %jit3A : i32
    %sign3A = arith.constant 0 : i32
    %sign3A_1 = arith.cmpi sgt, %add3A, %sign3A : i32
    %sign3A_2 = arith.extui %sign3A_1 : i1 to i32
    %sign3A_3 = arith.constant 0 : i32
    %sign3A_4 = arith.cmpi slt, %add3A, %sign3A_3 : i32
    %sign3A_5 = arith.extui %sign3A_4 : i1 to i32
    %sign3A_6 = arith.subi %sign3A_2, %sign3A_5 : i32
    %sign3A_7 = arith.constant 0 : i32
    %sign3A_8 = arith.cmpi sgt, %jit3A, %sign3A_7 : i32
    %sign3A_9 = arith.extui %sign3A_8 : i1 to i32
    %sign3A_10 = arith.constant 0 : i32
    %sign3A_11 = arith.cmpi slt, %jit3A, %sign3A_10 : i32
    %sign3A_12 = arith.extui %sign3A_11 : i1 to i32
    %sign3A_13 = arith.subi %sign3A_9, %sign3A_12 : i32
    %ne3A = arith.cmpi ne, %sign3A_6, %sign3A_13 : i32
    %rem3A = arith.remsi %add3A, %jit3A : i32
    %ne3A_14 = arith.constant 0 : i32
    %ne3A_15 = arith.cmpi ne, %rem3A, %ne3A_14 : i32
    %and3A = arith.andi %ne3A, %ne3A_15 : i1
    %sub3A = arith.constant 1 : i32
    %sub3A_16 = arith.subi %div3A, %sub3A : i32
    %select_n3A = arith.select %and3A, %sub3A_16, %div3A : i32
    %jit3A_17 = arith.constant 8 : i32
    %eq3A = arith.constant 0 : i32
    %eq3A_18 = arith.cmpi eq, %jit3A_17, %eq3A : i32
    %jit3A_19 = arith.constant 1 : i32
    %select_n3A_20 = arith.select %eq3A_18, %jit3A_19, %jit3A_17 : i32
    %rem3A_21 = arith.remsi %add3A, %select_n3A_20 : i32
    %ne3A_22 = arith.constant 0 : i32
    %ne3A_23 = arith.cmpi ne, %rem3A_21, %ne3A_22 : i32
    %lt3A = arith.constant 0 : i32
    %lt3A_24 = arith.cmpi slt, %rem3A_21, %lt3A : i32
    %lt3A_25 = arith.constant 0 : i32
    %lt3A_26 = arith.cmpi slt, %select_n3A_20, %lt3A_25 : i32
    %ne3A_27 = arith.xori %lt3A_24, %lt3A_26 : i1
    %and3A_28 = arith.andi %ne3A_27, %ne3A_23 : i1
    %add3A_29 = arith.addi %rem3A_21, %select_n3A_20 : i32
    %select_n3A_30 = arith.select %and3A_28, %add3A_29, %rem3A_21 : i32
    %mul3A_31 = arith.constant 32768 : i32
    %mul3A_32 = arith.muli %select_n3A_30, %mul3A_31 : i32
    %mul3A_33 = arith.constant 21 : i32
    %mul3A_34 = arith.muli %select_n3A, %mul3A_33 : i32
    %add3A_35 = arith.constant 0 : i32
    %add3A_36 = arith.addi %mul3A_34, %add3A_35 : i32
    %mul3A_37 = arith.constant 262144 : i32
    %mul3A_38 = arith.muli %add3A_36, %mul3A_37 : i32
    %add3A_39 = arith.addi %mul3A_38, %mul3A_32 : i32
    %dma_start3A = arith.constant 0 : i32
    %dma_start3A_40 = tpu.memref_slice %arg7[%dma_start3A] : memref<65536xf32, #tpu.memory_space<vmem>> -> memref<32768xf32, #tpu.memory_space<vmem>>
    %dma_start3A_41 = tpu.memref_slice %arg2[%add3A_39] : memref<22020096xf32, #tpu.memory_space<hbm>> -> memref<32768xf32, #tpu.memory_space<hbm>>
    %dma_start3A_42 = arith.constant 0 : i32
    %dma_start3A_43 = tpu.memref_slice %arg7[%dma_start3A_42] : memref<65536xf32, #tpu.memory_space<vmem>> -> memref<32768xf32, #tpu.memory_space<vmem>>
    %dma_start3A_44 = tpu.memref_slice %arg2[%add3A_39] : memref<22020096xf32, #tpu.memory_space<hbm>> -> memref<32768xf32, #tpu.memory_space<hbm>>
    tpu.enqueue_dma source(%dma_start3A_44 : memref<32768xf32, #tpu.memory_space<hbm>>) target(%dma_start3A_43 : memref<32768xf32, #tpu.memory_space<vmem>>) target_semaphore(%arg9 : memref<!tpu.dma_semaphore, #tpu.memory_space<semaphore_mem>>)
    %mul3A_45 = arith.constant 32768 : i32
    %mul3A_46 = arith.muli %add3A, %mul3A_45 : i32
    "tpu.region"() ({
      %run_scoped3A = tpu.sem_alloc : memref<!tpu.dma_semaphore, #tpu.memory_space<semaphore_mem>>
      %dma_start3A_62 = tpu.memref_slice %arg3[%mul3A_46] : memref<1048576xi32, #tpu.memory_space<hbm>> -> memref<32768xi32, #tpu.memory_space<hbm>>
      %dma_start3A_63 = tpu.memref_slice %arg3[%mul3A_46] : memref<1048576xi32, #tpu.memory_space<hbm>> -> memref<32768xi32, #tpu.memory_space<hbm>>
      tpu.enqueue_dma source(%dma_start3A_63 : memref<32768xi32, #tpu.memory_space<hbm>>) target(%arg6 : memref<32768xi32, #tpu.memory_space<vmem>>) target_semaphore(%run_scoped3A : memref<!tpu.dma_semaphore, #tpu.memory_space<semaphore_mem>>)
      %dma_wait3A = tpu.memref_slice %arg3[%mul3A_46] : memref<1048576xi32, #tpu.memory_space<hbm>> -> memref<32768xi32, #tpu.memory_space<hbm>>
      %dma_wait3A_64 = tpu.memref_slice %arg3[%mul3A_46] : memref<1048576xi32, #tpu.memory_space<hbm>> -> memref<32768xi32, #tpu.memory_space<hbm>>
      tpu.wait_dma2 semaphore(%run_scoped3A : memref<!tpu.dma_semaphore, #tpu.memory_space<semaphore_mem>>) src(%dma_wait3A_64 : memref<32768xi32, #tpu.memory_space<hbm>>) dst(%arg6 : memref<32768xi32, #tpu.memory_space<vmem>>)
      tpu.yield
    }) : () -> ()
    %iota3A = tpu.iota {dimensions = array<i32: 0>} : vector<16xi32>
    %mul3A_47 = arith.constant 1537 : i32
    %mul3A_48 = vector.broadcast %mul3A_47 : i32 to vector<16xi32>
    %mul3A_49 = arith.muli %iota3A, %mul3A_48 : vector<16xi32>
    %broadcast_in_dim3A = arith.constant 0 : i32
    %broadcast_in_dim3A_50 = vector.broadcast %broadcast_in_dim3A : i32 to vector<16xi32>
    %scan3A = arith.constant 0 : i32
    %scan3A_51 = arith.constant 0 : i32
    %scan3A_52 = arith.constant 1537 : i32
    %scan3A_53 = arith.addi %scan3A_51, %scan3A_52 : i32
    %scan3A_54 = arith.constant 1 : i32
    scf.for %scan3A_62 = %scan3A_51 to %scan3A_53 step %scan3A_54  : i32 {
      %mul3A_63 = arith.constant 16 : i32
      %mul3A_64 = arith.muli %scan3A_62, %mul3A_63 : i32
      %swap3A = arith.index_cast %mul3A_64 : i32 to index
      %swap3A_65 = tpu.vector_load %arg5[%swap3A] {strides = array<i32>} : memref<24592xi32, #tpu.memory_space<vmem>>, vector<16xi32>,
      tpu.vector_store %arg5[%swap3A], %broadcast_in_dim3A_50 {strides = array<i32>} : memref<24592xi32, #tpu.memory_space<vmem>>, vector<16xi32>,
    }
    %scan3A_55 = arith.constant 1537 : i32
    %scan3A_56 = arith.constant 0 : i32
    %scan3A_57 = arith.constant 0 : i32
    %scan3A_58 = arith.constant 21 : i32
    %scan3A_59 = arith.addi %scan3A_57, %scan3A_58 : i32
    %scan3A_60 = arith.constant 1 : i32
    scf.for %scan3A_62 = %scan3A_57 to %scan3A_59 step %scan3A_60  : i32 {
      %jit3A_63 = arith.constant 2 : i32
      %eq3A_64 = arith.constant 0 : i32
      %eq3A_65 = arith.cmpi eq, %jit3A_63, %eq3A_64 : i32
      %jit3A_66 = arith.constant 1 : i32
      %select_n3A_67 = arith.select %eq3A_65, %jit3A_66, %jit3A_63 : i32
      %rem3A_68 = arith.remsi %scan3A_62, %select_n3A_67 : i32
      %ne3A_69 = arith.constant 0 : i32
      %ne3A_70 = arith.cmpi ne, %rem3A_68, %ne3A_69 : i32
      %lt3A_71 = arith.constant 0 : i32
      %lt3A_72 = arith.cmpi slt, %rem3A_68, %lt3A_71 : i32
      %lt3A_73 = arith.constant 0 : i32
      %lt3A_74 = arith.cmpi slt, %select_n3A_67, %lt3A_73 : i32
      %ne3A_75 = arith.xori %lt3A_72, %lt3A_74 : i1
      %and3A_76 = arith.andi %ne3A_75, %ne3A_70 : i1
      %add3A_77 = arith.addi %rem3A_68, %select_n3A_67 : i32
      %select_n3A_78 = arith.select %and3A_76, %add3A_77, %rem3A_68 : i32
      %mul3A_79 = arith.constant 32768 : i32
      %mul3A_80 = arith.muli %select_n3A_78, %mul3A_79 : i32
      %dma_wait3A = tpu.memref_slice %arg7[%mul3A_80] : memref<65536xf32, #tpu.memory_space<vmem>> -> memref<32768xf32, #tpu.memory_space<vmem>>
      %dma_wait3A_81 = arith.constant 0 : i32
      %dma_wait3A_82 = tpu.memref_slice %arg2[%dma_wait3A_81] : memref<22020096xf32, #tpu.memory_space<hbm>> -> memref<32768xf32, #tpu.memory_space<hbm>>
      %dma_wait3A_83 = tpu.memref_slice %arg7[%mul3A_80] : memref<65536xf32, #tpu.memory_space<vmem>> -> memref<32768xf32, #tpu.memory_space<vmem>>
      %dma_wait3A_84 = arith.constant 0 : i32
      %dma_wait3A_85 = tpu.memref_slice %arg2[%dma_wait3A_84] : memref<22020096xf32, #tpu.memory_space<hbm>> -> memref<32768xf32, #tpu.memory_space<hbm>>
      tpu.wait_dma2 semaphore(%arg9 : memref<!tpu.dma_semaphore, #tpu.memory_space<semaphore_mem>>) src(%dma_wait3A_85 : memref<32768xf32, #tpu.memory_space<hbm>>) dst(%dma_wait3A_83 : memref<32768xf32, #tpu.memory_space<vmem>>)
      %add3A_86 = arith.constant 1 : i32
      %add3A_87 = arith.addi %scan3A_62, %add3A_86 : i32
      %lt3A_88 = arith.constant 21 : i32
      %lt3A_89 = arith.cmpi slt, %add3A_87, %lt3A_88 : i32
      %convert_element_type3A = arith.extui %lt3A_89 : i1 to i32
      %cond3A = arith.constant 0 : i32
      %cond3A_90 = arith.cmpi ne, %convert_element_type3A, %cond3A : i32
      scf.if %cond3A_90 {
        %add3A_108 = arith.constant 1 : i32
        %add3A_109 = arith.addi %scan3A_62, %add3A_108 : i32
        %jit3A_110 = arith.constant 2 : i32
        %eq3A_111 = arith.constant 0 : i32
        %eq3A_112 = arith.cmpi eq, %jit3A_110, %eq3A_111 : i32
        %jit3A_113 = arith.constant 1 : i32
        %select_n3A_114 = arith.select %eq3A_112, %jit3A_113, %jit3A_110 : i32
        %rem3A_115 = arith.remsi %add3A_109, %select_n3A_114 : i32
        %ne3A_116 = arith.constant 0 : i32
        %ne3A_117 = arith.cmpi ne, %rem3A_115, %ne3A_116 : i32
        %lt3A_118 = arith.constant 0 : i32
        %lt3A_119 = arith.cmpi slt, %rem3A_115, %lt3A_118 : i32
        %lt3A_120 = arith.constant 0 : i32
        %lt3A_121 = arith.cmpi slt, %select_n3A_114, %lt3A_120 : i32
        %ne3A_122 = arith.xori %lt3A_119, %lt3A_121 : i1
        %and3A_123 = arith.andi %ne3A_122, %ne3A_117 : i1
        %add3A_124 = arith.addi %rem3A_115, %select_n3A_114 : i32
        %select_n3A_125 = arith.select %and3A_123, %add3A_124, %rem3A_115 : i32
        %mul3A_126 = arith.constant 32768 : i32
        %mul3A_127 = arith.muli %select_n3A_125, %mul3A_126 : i32
        %add3A_128 = arith.constant 1 : i32
        %add3A_129 = arith.addi %scan3A_62, %add3A_128 : i32
        %mul3A_130 = arith.constant 21 : i32
        %mul3A_131 = arith.muli %select_n3A, %mul3A_130 : i32
        %add3A_132 = arith.addi %mul3A_131, %add3A_129 : i32
        %mul3A_133 = arith.constant 262144 : i32
        %mul3A_134 = arith.muli %add3A_132, %mul3A_133 : i32
        %add3A_135 = arith.addi %mul3A_134, %mul3A_32 : i32
        %dma_start3A_136 = tpu.memref_slice %arg7[%mul3A_127] : memref<65536xf32, #tpu.memory_space<vmem>> -> memref<32768xf32, #tpu.memory_space<vmem>>
        %dma_start3A_137 = tpu.memref_slice %arg2[%add3A_135] : memref<22020096xf32, #tpu.memory_space<hbm>> -> memref<32768xf32, #tpu.memory_space<hbm>>
        %dma_start3A_138 = tpu.memref_slice %arg7[%mul3A_127] : memref<65536xf32, #tpu.memory_space<vmem>> -> memref<32768xf32, #tpu.memory_space<vmem>>
        %dma_start3A_139 = tpu.memref_slice %arg2[%add3A_135] : memref<22020096xf32, #tpu.memory_space<hbm>> -> memref<32768xf32, #tpu.memory_space<hbm>>
        tpu.enqueue_dma source(%dma_start3A_139 : memref<32768xf32, #tpu.memory_space<hbm>>) target(%dma_start3A_138 : memref<32768xf32, #tpu.memory_space<vmem>>) target_semaphore(%arg9 : memref<!tpu.dma_semaphore, #tpu.memory_space<semaphore_mem>>)
      } else {
      }
      %scan3A_91 = arith.constant 0 : i32
      %scan3A_92 = arith.constant 0 : i32
      %scan3A_93 = arith.constant 256 : i32
      %scan3A_94 = arith.addi %scan3A_92, %scan3A_93 : i32
      %scan3A_95 = arith.constant 1 : i32
      scf.for %scan3A_108 = %scan3A_92 to %scan3A_94 step %scan3A_95  : i32 {
        %mul3A_109 = arith.constant 128 : i32
        %mul3A_110 = arith.muli %scan3A_108, %mul3A_109 : i32
        %add3A_111 = arith.addi %mul3A_80, %mul3A_110 : i32
        %add3A_112 = arith.constant 0 : i32
        %add3A_113 = arith.addi %add3A_111, %add3A_112 : i32
        %get3A = arith.index_cast %add3A_113 : i32 to index
        %get3A_114 = tpu.vector_load %arg7[%get3A] {strides = array<i32>} : memref<65536xf32, #tpu.memory_space<vmem>>, vector<16xf32>,
        %add3A_115 = arith.constant 16 : i32
        %add3A_116 = arith.addi %add3A_111, %add3A_115 : i32
        %get3A_117 = arith.index_cast %add3A_116 : i32 to index
        %get3A_118 = tpu.vector_load %arg7[%get3A_117] {strides = array<i32>} : memref<65536xf32, #tpu.memory_space<vmem>>, vector<16xf32>,
        %add3A_119 = arith.constant 32 : i32
        %add3A_120 = arith.addi %add3A_111, %add3A_119 : i32
        %get3A_121 = arith.index_cast %add3A_120 : i32 to index
        %get3A_122 = tpu.vector_load %arg7[%get3A_121] {strides = array<i32>} : memref<65536xf32, #tpu.memory_space<vmem>>, vector<16xf32>,
        %add3A_123 = arith.constant 48 : i32
        %add3A_124 = arith.addi %add3A_111, %add3A_123 : i32
        %get3A_125 = arith.index_cast %add3A_124 : i32 to index
        %get3A_126 = tpu.vector_load %arg7[%get3A_125] {strides = array<i32>} : memref<65536xf32, #tpu.memory_space<vmem>>, vector<16xf32>,
        %add3A_127 = arith.constant 64 : i32
        %add3A_128 = arith.addi %add3A_111, %add3A_127 : i32
        %get3A_129 = arith.index_cast %add3A_128 : i32 to index
        %get3A_130 = tpu.vector_load %arg7[%get3A_129] {strides = array<i32>} : memref<65536xf32, #tpu.memory_space<vmem>>, vector<16xf32>,
        %add3A_131 = arith.constant 80 : i32
        %add3A_132 = arith.addi %add3A_111, %add3A_131 : i32
        %get3A_133 = arith.index_cast %add3A_132 : i32 to index
        %get3A_134 = tpu.vector_load %arg7[%get3A_133] {strides = array<i32>} : memref<65536xf32, #tpu.memory_space<vmem>>, vector<16xf32>,
        %add3A_135 = arith.constant 96 : i32
        %add3A_136 = arith.addi %add3A_111, %add3A_135 : i32
        %get3A_137 = arith.index_cast %add3A_136 : i32 to index
        %get3A_138 = tpu.vector_load %arg7[%get3A_137] {strides = array<i32>} : memref<65536xf32, #tpu.memory_space<vmem>>, vector<16xf32>,
        %add3A_139 = arith.constant 112 : i32
        %add3A_140 = arith.addi %add3A_111, %add3A_139 : i32
        %get3A_141 = arith.index_cast %add3A_140 : i32 to index
        %get3A_142 = tpu.vector_load %arg7[%get3A_141] {strides = array<i32>} : memref<65536xf32, #tpu.memory_space<vmem>>, vector<16xf32>,
        %mul3A_143 = arith.constant 128 : i32
        %mul3A_144 = arith.muli %scan3A_108, %mul3A_143 : i32
        %add3A_145 = arith.constant 0 : i32
        %add3A_146 = arith.addi %mul3A_144, %add3A_145 : i32
        %get3A_147 = arith.index_cast %add3A_146 : i32 to index
        %get3A_148 = tpu.vector_load %arg6[%get3A_147] {strides = array<i32>} : memref<32768xi32, #tpu.memory_space<vmem>>, vector<16xi32>,
        %add3A_149 = arith.constant 16 : i32
        %add3A_150 = arith.addi %mul3A_144, %add3A_149 : i32
        %get3A_151 = arith.index_cast %add3A_150 : i32 to index
        %get3A_152 = tpu.vector_load %arg6[%get3A_151] {strides = array<i32>} : memref<32768xi32, #tpu.memory_space<vmem>>, vector<16xi32>,
        %add3A_153 = arith.constant 32 : i32
        %add3A_154 = arith.addi %mul3A_144, %add3A_153 : i32
        %get3A_155 = arith.index_cast %add3A_154 : i32 to index
        %get3A_156 = tpu.vector_load %arg6[%get3A_155] {strides = array<i32>} : memref<32768xi32, #tpu.memory_space<vmem>>, vector<16xi32>,
        %add3A_157 = arith.constant 48 : i32
        %add3A_158 = arith.addi %mul3A_144, %add3A_157 : i32
        %get3A_159 = arith.index_cast %add3A_158 : i32 to index
        %get3A_160 = tpu.vector_load %arg6[%get3A_159] {strides = array<i32>} : memref<32768xi32, #tpu.memory_space<vmem>>, vector<16xi32>,
        %add3A_161 = arith.constant 64 : i32
        %add3A_162 = arith.addi %mul3A_144, %add3A_161 : i32
        %get3A_163 = arith.index_cast %add3A_162 : i32 to index
        %get3A_164 = tpu.vector_load %arg6[%get3A_163] {strides = array<i32>} : memref<32768xi32, #tpu.memory_space<vmem>>, vector<16xi32>,
        %add3A_165 = arith.constant 80 : i32
        %add3A_166 = arith.addi %mul3A_144, %add3A_165 : i32
        %get3A_167 = arith.index_cast %add3A_166 : i32 to index
        %get3A_168 = tpu.vector_load %arg6[%get3A_167] {strides = array<i32>} : memref<32768xi32, #tpu.memory_space<vmem>>, vector<16xi32>,
        %add3A_169 = arith.constant 96 : i32
        %add3A_170 = arith.addi %mul3A_144, %add3A_169 : i32
        %get3A_171 = arith.index_cast %add3A_170 : i32 to index
        %get3A_172 = tpu.vector_load %arg6[%get3A_171] {strides = array<i32>} : memref<32768xi32, #tpu.memory_space<vmem>>, vector<16xi32>,
        %add3A_173 = arith.constant 112 : i32
        %add3A_174 = arith.addi %mul3A_144, %add3A_173 : i32
        %get3A_175 = arith.index_cast %add3A_174 : i32 to index
        %get3A_176 = tpu.vector_load %arg6[%get3A_175] {strides = array<i32>} : memref<32768xi32, #tpu.memory_space<vmem>>, vector<16xi32>,
        %exp3A = math.exp %get3A_114 : vector<16xf32>
        %exp3A_177 = math.exp %get3A_118 : vector<16xf32>
        %exp3A_178 = math.exp %get3A_122 : vector<16xf32>
        %exp3A_179 = math.exp %get3A_126 : vector<16xf32>
        %exp3A_180 = math.exp %get3A_130 : vector<16xf32>
        %exp3A_181 = math.exp %get3A_134 : vector<16xf32>
        %exp3A_182 = math.exp %get3A_138 : vector<16xf32>
        %exp3A_183 = math.exp %get3A_142 : vector<16xf32>
        %eq3A_184 = vector.broadcast %scan3A_62 : i32 to vector<16xi32>
        %eq3A_185 = arith.cmpi eq, %get3A_148, %eq3A_184 : vector<16xi32>
        %eq3A_186 = vector.broadcast %scan3A_62 : i32 to vector<16xi32>
        %eq3A_187 = arith.cmpi eq, %get3A_152, %eq3A_186 : vector<16xi32>
        %eq3A_188 = vector.broadcast %scan3A_62 : i32 to vector<16xi32>
        %eq3A_189 = arith.cmpi eq, %get3A_156, %eq3A_188 : vector<16xi32>
        %eq3A_190 = vector.broadcast %scan3A_62 : i32 to vector<16xi32>
        %eq3A_191 = arith.cmpi eq, %get3A_160, %eq3A_190 : vector<16xi32>
        %eq3A_192 = vector.broadcast %scan3A_62 : i32 to vector<16xi32>
        %eq3A_193 = arith.cmpi eq, %get3A_164, %eq3A_192 : vector<16xi32>
        %eq3A_194 = vector.broadcast %scan3A_62 : i32 to vector<16xi32>
        %eq3A_195 = arith.cmpi eq, %get3A_168, %eq3A_194 : vector<16xi32>
        %eq3A_196 = vector.broadcast %scan3A_62 : i32 to vector<16xi32>
        %eq3A_197 = arith.cmpi eq, %get3A_172, %eq3A_196 : vector<16xi32>
        %eq3A_198 = vector.broadcast %scan3A_62 : i32 to vector<16xi32>
        %eq3A_199 = arith.cmpi eq, %get3A_176, %eq3A_198 : vector<16xi32>
        %sub3A_200 = arith.constant 1.000000e+00 : f32
        %sub3A_201 = vector.broadcast %sub3A_200 : f32 to vector<16xf32>
        %sub3A_202 = arith.subf %sub3A_201, %exp3A : vector<16xf32>
        %select_n3A_203 = arith.select %eq3A_185, %sub3A_202, %exp3A : vector<16xi1>, vector<16xf32>
        %abs3A = math.absf %select_n3A_203 : vector<16xf32>
        %sub3A_204 = arith.constant 1.000000e+00 : f32
        %sub3A_205 = vector.broadcast %sub3A_204 : f32 to vector<16xf32>
        %sub3A_206 = arith.subf %sub3A_205, %exp3A_177 : vector<16xf32>
        %select_n3A_207 = arith.select %eq3A_187, %sub3A_206, %exp3A_177 : vector<16xi1>, vector<16xf32>
        %abs3A_208 = math.absf %select_n3A_207 : vector<16xf32>
        %sub3A_209 = arith.constant 1.000000e+00 : f32
        %sub3A_210 = vector.broadcast %sub3A_209 : f32 to vector<16xf32>
        %sub3A_211 = arith.subf %sub3A_210, %exp3A_178 : vector<16xf32>
        %select_n3A_212 = arith.select %eq3A_189, %sub3A_211, %exp3A_178 : vector<16xi1>, vector<16xf32>
        %abs3A_213 = math.absf %select_n3A_212 : vector<16xf32>
        %sub3A_214 = arith.constant 1.000000e+00 : f32
        %sub3A_215 = vector.broadcast %sub3A_214 : f32 to vector<16xf32>
        %sub3A_216 = arith.subf %sub3A_215, %exp3A_179 : vector<16xf32>
        %select_n3A_217 = arith.select %eq3A_191, %sub3A_216, %exp3A_179 : vector<16xi1>, vector<16xf32>
        %abs3A_218 = math.absf %select_n3A_217 : vector<16xf32>
        %sub3A_219 = arith.constant 1.000000e+00 : f32
        %sub3A_220 = vector.broadcast %sub3A_219 : f32 to vector<16xf32>
        %sub3A_221 = arith.subf %sub3A_220, %exp3A_180 : vector<16xf32>
        %select_n3A_222 = arith.select %eq3A_193, %sub3A_221, %exp3A_180 : vector<16xi1>, vector<16xf32>
        %abs3A_223 = math.absf %select_n3A_222 : vector<16xf32>
        %sub3A_224 = arith.constant 1.000000e+00 : f32
        %sub3A_225 = vector.broadcast %sub3A_224 : f32 to vector<16xf32>
        %sub3A_226 = arith.subf %sub3A_225, %exp3A_181 : vector<16xf32>
        %select_n3A_227 = arith.select %eq3A_195, %sub3A_226, %exp3A_181 : vector<16xi1>, vector<16xf32>
        %abs3A_228 = math.absf %select_n3A_227 : vector<16xf32>
        %sub3A_229 = arith.constant 1.000000e+00 : f32
        %sub3A_230 = vector.broadcast %sub3A_229 : f32 to vector<16xf32>
        %sub3A_231 = arith.subf %sub3A_230, %exp3A_182 : vector<16xf32>
        %select_n3A_232 = arith.select %eq3A_197, %sub3A_231, %exp3A_182 : vector<16xi1>, vector<16xf32>
        %abs3A_233 = math.absf %select_n3A_232 : vector<16xf32>
        %sub3A_234 = arith.constant 1.000000e+00 : f32
        %sub3A_235 = vector.broadcast %sub3A_234 : f32 to vector<16xf32>
        %sub3A_236 = arith.subf %sub3A_235, %exp3A_183 : vector<16xf32>
        %select_n3A_237 = arith.select %eq3A_199, %sub3A_236, %exp3A_183 : vector<16xi1>, vector<16xf32>
        %abs3A_238 = math.absf %select_n3A_237 : vector<16xf32>
        %bitcast_convert_type3A = tpu.bitcast %abs3A : vector<16xf32> -> vector<16xi32>
        %bitcast_convert_type3A_239 = tpu.bitcast %abs3A_208 : vector<16xf32> -> vector<16xi32>
        %bitcast_convert_type3A_240 = tpu.bitcast %abs3A_213 : vector<16xf32> -> vector<16xi32>
        %bitcast_convert_type3A_241 = tpu.bitcast %abs3A_218 : vector<16xf32> -> vector<16xi32>
        %bitcast_convert_type3A_242 = tpu.bitcast %abs3A_223 : vector<16xf32> -> vector<16xi32>
        %bitcast_convert_type3A_243 = tpu.bitcast %abs3A_228 : vector<16xf32> -> vector<16xi32>
        %bitcast_convert_type3A_244 = tpu.bitcast %abs3A_233 : vector<16xf32> -> vector<16xi32>
        %bitcast_convert_type3A_245 = tpu.bitcast %abs3A_238 : vector<16xf32> -> vector<16xi32>
        %shift_right_arithmetic3A = arith.constant 18 : i32
        %shift_right_arithmetic3A_246 = vector.broadcast %shift_right_arithmetic3A : i32 to vector<16xi32>
        %shift_right_arithmetic3A_247 = arith.shrsi %bitcast_convert_type3A, %shift_right_arithmetic3A_246 : vector<16xi32>
        %sub3A_248 = arith.constant 3584 : i32
        %sub3A_249 = vector.broadcast %sub3A_248 : i32 to vector<16xi32>
        %sub3A_250 = arith.subi %shift_right_arithmetic3A_247, %sub3A_249 : vector<16xi32>
        %max3A = arith.constant 0 : i32
        %max3A_251 = vector.broadcast %max3A : i32 to vector<16xi32>
        %max3A_252 = arith.maxsi %sub3A_250, %max3A_251 : vector<16xi32>
        %min3A = arith.constant 767 : i32
        %min3A_253 = vector.broadcast %min3A : i32 to vector<16xi32>
        %min3A_254 = arith.minsi %max3A_252, %min3A_253 : vector<16xi32>
        %shift_right_arithmetic3A_255 = arith.constant 18 : i32
        %shift_right_arithmetic3A_256 = vector.broadcast %shift_right_arithmetic3A_255 : i32 to vector<16xi32>
        %shift_right_arithmetic3A_257 = arith.shrsi %bitcast_convert_type3A_239, %shift_right_arithmetic3A_256 : vector<16xi32>
        %sub3A_258 = arith.constant 3584 : i32
        %sub3A_259 = vector.broadcast %sub3A_258 : i32 to vector<16xi32>
        %sub3A_260 = arith.subi %shift_right_arithmetic3A_257, %sub3A_259 : vector<16xi32>
        %max3A_261 = arith.constant 0 : i32
        %max3A_262 = vector.broadcast %max3A_261 : i32 to vector<16xi32>
        %max3A_263 = arith.maxsi %sub3A_260, %max3A_262 : vector<16xi32>
        %min3A_264 = arith.constant 767 : i32
        %min3A_265 = vector.broadcast %min3A_264 : i32 to vector<16xi32>
        %min3A_266 = arith.minsi %max3A_263, %min3A_265 : vector<16xi32>
        %shift_right_arithmetic3A_267 = arith.constant 18 : i32
        %shift_right_arithmetic3A_268 = vector.broadcast %shift_right_arithmetic3A_267 : i32 to vector<16xi32>
        %shift_right_arithmetic3A_269 = arith.shrsi %bitcast_convert_type3A_240, %shift_right_arithmetic3A_268 : vector<16xi32>
        %sub3A_270 = arith.constant 3584 : i32
        %sub3A_271 = vector.broadcast %sub3A_270 : i32 to vector<16xi32>
        %sub3A_272 = arith.subi %shift_right_arithmetic3A_269, %sub3A_271 : vector<16xi32>
        %max3A_273 = arith.constant 0 : i32
        %max3A_274 = vector.broadcast %max3A_273 : i32 to vector<16xi32>
        %max3A_275 = arith.maxsi %sub3A_272, %max3A_274 : vector<16xi32>
        %min3A_276 = arith.constant 767 : i32
        %min3A_277 = vector.broadcast %min3A_276 : i32 to vector<16xi32>
        %min3A_278 = arith.minsi %max3A_275, %min3A_277 : vector<16xi32>
        %shift_right_arithmetic3A_279 = arith.constant 18 : i32
        %shift_right_arithmetic3A_280 = vector.broadcast %shift_right_arithmetic3A_279 : i32 to vector<16xi32>
        %shift_right_arithmetic3A_281 = arith.shrsi %bitcast_convert_type3A_241, %shift_right_arithmetic3A_280 : vector<16xi32>
        %sub3A_282 = arith.constant 3584 : i32
        %sub3A_283 = vector.broadcast %sub3A_282 : i32 to vector<16xi32>
        %sub3A_284 = arith.subi %shift_right_arithmetic3A_281, %sub3A_283 : vector<16xi32>
        %max3A_285 = arith.constant 0 : i32
        %max3A_286 = vector.broadcast %max3A_285 : i32 to vector<16xi32>
        %max3A_287 = arith.maxsi %sub3A_284, %max3A_286 : vector<16xi32>
        %min3A_288 = arith.constant 767 : i32
        %min3A_289 = vector.broadcast %min3A_288 : i32 to vector<16xi32>
        %min3A_290 = arith.minsi %max3A_287, %min3A_289 : vector<16xi32>
        %shift_right_arithmetic3A_291 = arith.constant 18 : i32
        %shift_right_arithmetic3A_292 = vector.broadcast %shift_right_arithmetic3A_291 : i32 to vector<16xi32>
        %shift_right_arithmetic3A_293 = arith.shrsi %bitcast_convert_type3A_242, %shift_right_arithmetic3A_292 : vector<16xi32>
        %sub3A_294 = arith.constant 3584 : i32
        %sub3A_295 = vector.broadcast %sub3A_294 : i32 to vector<16xi32>
        %sub3A_296 = arith.subi %shift_right_arithmetic3A_293, %sub3A_295 : vector<16xi32>
        %max3A_297 = arith.constant 0 : i32
        %max3A_298 = vector.broadcast %max3A_297 : i32 to vector<16xi32>
        %max3A_299 = arith.maxsi %sub3A_296, %max3A_298 : vector<16xi32>
        %min3A_300 = arith.constant 767 : i32
        %min3A_301 = vector.broadcast %min3A_300 : i32 to vector<16xi32>
        %min3A_302 = arith.minsi %max3A_299, %min3A_301 : vector<16xi32>
        %shift_right_arithmetic3A_303 = arith.constant 18 : i32
        %shift_right_arithmetic3A_304 = vector.broadcast %shift_right_arithmetic3A_303 : i32 to vector<16xi32>
        %shift_right_arithmetic3A_305 = arith.shrsi %bitcast_convert_type3A_243, %shift_right_arithmetic3A_304 : vector<16xi32>
        %sub3A_306 = arith.constant 3584 : i32
        %sub3A_307 = vector.broadcast %sub3A_306 : i32 to vector<16xi32>
        %sub3A_308 = arith.subi %shift_right_arithmetic3A_305, %sub3A_307 : vector<16xi32>
        %max3A_309 = arith.constant 0 : i32
        %max3A_310 = vector.broadcast %max3A_309 : i32 to vector<16xi32>
        %max3A_311 = arith.maxsi %sub3A_308, %max3A_310 : vector<16xi32>
        %min3A_312 = arith.constant 767 : i32
        %min3A_313 = vector.broadcast %min3A_312 : i32 to vector<16xi32>
        %min3A_314 = arith.minsi %max3A_311, %min3A_313 : vector<16xi32>
        %shift_right_arithmetic3A_315 = arith.constant 18 : i32
        %shift_right_arithmetic3A_316 = vector.broadcast %shift_right_arithmetic3A_315 : i32 to vector<16xi32>
        %shift_right_arithmetic3A_317 = arith.shrsi %bitcast_convert_type3A_244, %shift_right_arithmetic3A_316 : vector<16xi32>
        %sub3A_318 = arith.constant 3584 : i32
        %sub3A_319 = vector.broadcast %sub3A_318 : i32 to vector<16xi32>
        %sub3A_320 = arith.subi %shift_right_arithmetic3A_317, %sub3A_319 : vector<16xi32>
        %max3A_321 = arith.constant 0 : i32
        %max3A_322 = vector.broadcast %max3A_321 : i32 to vector<16xi32>
        %max3A_323 = arith.maxsi %sub3A_320, %max3A_322 : vector<16xi32>
        %min3A_324 = arith.constant 767 : i32
        %min3A_325 = vector.broadcast %min3A_324 : i32 to vector<16xi32>
        %min3A_326 = arith.minsi %max3A_323, %min3A_325 : vector<16xi32>
        %shift_right_arithmetic3A_327 = arith.constant 18 : i32
        %shift_right_arithmetic3A_328 = vector.broadcast %shift_right_arithmetic3A_327 : i32 to vector<16xi32>
        %shift_right_arithmetic3A_329 = arith.shrsi %bitcast_convert_type3A_245, %shift_right_arithmetic3A_328 : vector<16xi32>
        %sub3A_330 = arith.constant 3584 : i32
        %sub3A_331 = vector.broadcast %sub3A_330 : i32 to vector<16xi32>
        %sub3A_332 = arith.subi %shift_right_arithmetic3A_329, %sub3A_331 : vector<16xi32>
        %max3A_333 = arith.constant 0 : i32
        %max3A_334 = vector.broadcast %max3A_333 : i32 to vector<16xi32>
        %max3A_335 = arith.maxsi %sub3A_332, %max3A_334 : vector<16xi32>
        %min3A_336 = arith.constant 767 : i32
        %min3A_337 = vector.broadcast %min3A_336 : i32 to vector<16xi32>
        %min3A_338 = arith.minsi %max3A_335, %min3A_337 : vector<16xi32>
        %shift_right_arithmetic3A_339 = arith.constant 10 : i32
        %shift_right_arithmetic3A_340 = vector.broadcast %shift_right_arithmetic3A_339 : i32 to vector<16xi32>
        %shift_right_arithmetic3A_341 = arith.shrsi %bitcast_convert_type3A, %shift_right_arithmetic3A_340 : vector<16xi32>
        %and3A_342 = arith.constant 255 : i32
        %and3A_343 = vector.broadcast %and3A_342 : i32 to vector<16xi32>
        %and3A_344 = arith.andi %shift_right_arithmetic3A_341, %and3A_343 : vector<16xi32>
        %add3A_345 = arith.constant 524288 : i32
        %add3A_346 = vector.broadcast %add3A_345 : i32 to vector<16xi32>
        %add3A_347 = arith.addi %add3A_346, %and3A_344 : vector<16xi32>
        %shift_right_arithmetic3A_348 = arith.constant 10 : i32
        %shift_right_arithmetic3A_349 = vector.broadcast %shift_right_arithmetic3A_348 : i32 to vector<16xi32>
        %shift_right_arithmetic3A_350 = arith.shrsi %bitcast_convert_type3A_239, %shift_right_arithmetic3A_349 : vector<16xi32>
        %and3A_351 = arith.constant 255 : i32
        %and3A_352 = vector.broadcast %and3A_351 : i32 to vector<16xi32>
        %and3A_353 = arith.andi %shift_right_arithmetic3A_350, %and3A_352 : vector<16xi32>
        %add3A_354 = arith.constant 524288 : i32
        %add3A_355 = vector.broadcast %add3A_354 : i32 to vector<16xi32>
        %add3A_356 = arith.addi %add3A_355, %and3A_353 : vector<16xi32>
        %shift_right_arithmetic3A_357 = arith.constant 10 : i32
        %shift_right_arithmetic3A_358 = vector.broadcast %shift_right_arithmetic3A_357 : i32 to vector<16xi32>
        %shift_right_arithmetic3A_359 = arith.shrsi %bitcast_convert_type3A_240, %shift_right_arithmetic3A_358 : vector<16xi32>
        %and3A_360 = arith.constant 255 : i32
        %and3A_361 = vector.broadcast %and3A_360 : i32 to vector<16xi32>
        %and3A_362 = arith.andi %shift_right_arithmetic3A_359, %and3A_361 : vector<16xi32>
        %add3A_363 = arith.constant 524288 : i32
        %add3A_364 = vector.broadcast %add3A_363 : i32 to vector<16xi32>
        %add3A_365 = arith.addi %add3A_364, %and3A_362 : vector<16xi32>
        %shift_right_arithmetic3A_366 = arith.constant 10 : i32
        %shift_right_arithmetic3A_367 = vector.broadcast %shift_right_arithmetic3A_366 : i32 to vector<16xi32>
        %shift_right_arithmetic3A_368 = arith.shrsi %bitcast_convert_type3A_241, %shift_right_arithmetic3A_367 : vector<16xi32>
        %and3A_369 = arith.constant 255 : i32
        %and3A_370 = vector.broadcast %and3A_369 : i32 to vector<16xi32>
        %and3A_371 = arith.andi %shift_right_arithmetic3A_368, %and3A_370 : vector<16xi32>
        %add3A_372 = arith.constant 524288 : i32
        %add3A_373 = vector.broadcast %add3A_372 : i32 to vector<16xi32>
        %add3A_374 = arith.addi %add3A_373, %and3A_371 : vector<16xi32>
        %shift_right_arithmetic3A_375 = arith.constant 10 : i32
        %shift_right_arithmetic3A_376 = vector.broadcast %shift_right_arithmetic3A_375 : i32 to vector<16xi32>
        %shift_right_arithmetic3A_377 = arith.shrsi %bitcast_convert_type3A_242, %shift_right_arithmetic3A_376 : vector<16xi32>
        %and3A_378 = arith.constant 255 : i32
        %and3A_379 = vector.broadcast %and3A_378 : i32 to vector<16xi32>
        %and3A_380 = arith.andi %shift_right_arithmetic3A_377, %and3A_379 : vector<16xi32>
        %add3A_381 = arith.constant 524288 : i32
        %add3A_382 = vector.broadcast %add3A_381 : i32 to vector<16xi32>
        %add3A_383 = arith.addi %add3A_382, %and3A_380 : vector<16xi32>
        %shift_right_arithmetic3A_384 = arith.constant 10 : i32
        %shift_right_arithmetic3A_385 = vector.broadcast %shift_right_arithmetic3A_384 : i32 to vector<16xi32>
        %shift_right_arithmetic3A_386 = arith.shrsi %bitcast_convert_type3A_243, %shift_right_arithmetic3A_385 : vector<16xi32>
        %and3A_387 = arith.constant 255 : i32
        %and3A_388 = vector.broadcast %and3A_387 : i32 to vector<16xi32>
        %and3A_389 = arith.andi %shift_right_arithmetic3A_386, %and3A_388 : vector<16xi32>
        %add3A_390 = arith.constant 524288 : i32
        %add3A_391 = vector.broadcast %add3A_390 : i32 to vector<16xi32>
        %add3A_392 = arith.addi %add3A_391, %and3A_389 : vector<16xi32>
        %shift_right_arithmetic3A_393 = arith.constant 10 : i32
        %shift_right_arithmetic3A_394 = vector.broadcast %shift_right_arithmetic3A_393 : i32 to vector<16xi32>
        %shift_right_arithmetic3A_395 = arith.shrsi %bitcast_convert_type3A_244, %shift_right_arithmetic3A_394 : vector<16xi32>
        %and3A_396 = arith.constant 255 : i32
        %and3A_397 = vector.broadcast %and3A_396 : i32 to vector<16xi32>
        %and3A_398 = arith.andi %shift_right_arithmetic3A_395, %and3A_397 : vector<16xi32>
        %add3A_399 = arith.constant 524288 : i32
        %add3A_400 = vector.broadcast %add3A_399 : i32 to vector<16xi32>
        %add3A_401 = arith.addi %add3A_400, %and3A_398 : vector<16xi32>
        %shift_right_arithmetic3A_402 = arith.constant 10 : i32
        %shift_right_arithmetic3A_403 = vector.broadcast %shift_right_arithmetic3A_402 : i32 to vector<16xi32>
        %shift_right_arithmetic3A_404 = arith.shrsi %bitcast_convert_type3A_245, %shift_right_arithmetic3A_403 : vector<16xi32>
        %and3A_405 = arith.constant 255 : i32
        %and3A_406 = vector.broadcast %and3A_405 : i32 to vector<16xi32>
        %and3A_407 = arith.andi %shift_right_arithmetic3A_404, %and3A_406 : vector<16xi32>
        %add3A_408 = arith.constant 524288 : i32
        %add3A_409 = vector.broadcast %add3A_408 : i32 to vector<16xi32>
        %add3A_410 = arith.addi %add3A_409, %and3A_407 : vector<16xi32>
        %add3A_411 = arith.constant 768 : i32
        %add3A_412 = vector.broadcast %add3A_411 : i32 to vector<16xi32>
        %add3A_413 = arith.addi %min3A_254, %add3A_412 : vector<16xi32>
        %select_n3A_414 = arith.select %eq3A_185, %min3A_254, %add3A_413 : vector<16xi1>, vector<16xi32>
        %add3A_415 = arith.addi %mul3A_49, %select_n3A_414 : vector<16xi32>
        %add3A_416 = arith.constant 768 : i32
        %add3A_417 = vector.broadcast %add3A_416 : i32 to vector<16xi32>
        %add3A_418 = arith.addi %min3A_266, %add3A_417 : vector<16xi32>
        %select_n3A_419 = arith.select %eq3A_187, %min3A_266, %add3A_418 : vector<16xi1>, vector<16xi32>
        %add3A_420 = arith.addi %mul3A_49, %select_n3A_419 : vector<16xi32>
        %add3A_421 = arith.constant 768 : i32
        %add3A_422 = vector.broadcast %add3A_421 : i32 to vector<16xi32>
        %add3A_423 = arith.addi %min3A_278, %add3A_422 : vector<16xi32>
        %select_n3A_424 = arith.select %eq3A_189, %min3A_278, %add3A_423 : vector<16xi1>, vector<16xi32>
        %add3A_425 = arith.addi %mul3A_49, %select_n3A_424 : vector<16xi32>
        %add3A_426 = arith.constant 768 : i32
        %add3A_427 = vector.broadcast %add3A_426 : i32 to vector<16xi32>
        %add3A_428 = arith.addi %min3A_290, %add3A_427 : vector<16xi32>
        %select_n3A_429 = arith.select %eq3A_191, %min3A_290, %add3A_428 : vector<16xi1>, vector<16xi32>
        %add3A_430 = arith.addi %mul3A_49, %select_n3A_429 : vector<16xi32>
        %add3A_431 = arith.constant 768 : i32
        %add3A_432 = vector.broadcast %add3A_431 : i32 to vector<16xi32>
        %add3A_433 = arith.addi %min3A_302, %add3A_432 : vector<16xi32>
        %select_n3A_434 = arith.select %eq3A_193, %min3A_302, %add3A_433 : vector<16xi1>, vector<16xi32>
        %add3A_435 = arith.addi %mul3A_49, %select_n3A_434 : vector<16xi32>
        %add3A_436 = arith.constant 768 : i32
        %add3A_437 = vector.broadcast %add3A_436 : i32 to vector<16xi32>
        %add3A_438 = arith.addi %min3A_314, %add3A_437 : vector<16xi32>
        %select_n3A_439 = arith.select %eq3A_195, %min3A_314, %add3A_438 : vector<16xi1>, vector<16xi32>
        %add3A_440 = arith.addi %mul3A_49, %select_n3A_439 : vector<16xi32>
        %add3A_441 = arith.constant 768 : i32
        %add3A_442 = vector.broadcast %add3A_441 : i32 to vector<16xi32>
        %add3A_443 = arith.addi %min3A_326, %add3A_442 : vector<16xi32>
        %select_n3A_444 = arith.select %eq3A_197, %min3A_326, %add3A_443 : vector<16xi1>, vector<16xi32>
        %add3A_445 = arith.addi %mul3A_49, %select_n3A_444 : vector<16xi32>
        %add3A_446 = arith.constant 768 : i32
        %add3A_447 = vector.broadcast %add3A_446 : i32 to vector<16xi32>
        %add3A_448 = arith.addi %min3A_338, %add3A_447 : vector<16xi32>
        %select_n3A_449 = arith.select %eq3A_199, %min3A_338, %add3A_448 : vector<16xi1>, vector<16xi32>
        %add3A_450 = arith.addi %mul3A_49, %select_n3A_449 : vector<16xi32>
        tpu.vector_store_idx %arg5[%add3A_415], %add3A_347 {add = true} : memref<24592xi32, #tpu.memory_space<vmem>>[vector<16xi32>], vector<16xi32>,
        tpu.vector_store_idx %arg5[%add3A_420], %add3A_356 {add = true} : memref<24592xi32, #tpu.memory_space<vmem>>[vector<16xi32>], vector<16xi32>,
        tpu.vector_store_idx %arg5[%add3A_425], %add3A_365 {add = true} : memref<24592xi32, #tpu.memory_space<vmem>>[vector<16xi32>], vector<16xi32>,
        tpu.vector_store_idx %arg5[%add3A_430], %add3A_374 {add = true} : memref<24592xi32, #tpu.memory_space<vmem>>[vector<16xi32>], vector<16xi32>,
        tpu.vector_store_idx %arg5[%add3A_435], %add3A_383 {add = true} : memref<24592xi32, #tpu.memory_space<vmem>>[vector<16xi32>], vector<16xi32>,
        tpu.vector_store_idx %arg5[%add3A_440], %add3A_392 {add = true} : memref<24592xi32, #tpu.memory_space<vmem>>[vector<16xi32>], vector<16xi32>,
        tpu.vector_store_idx %arg5[%add3A_445], %add3A_401 {add = true} : memref<24592xi32, #tpu.memory_space<vmem>>[vector<16xi32>], vector<16xi32>,
        tpu.vector_store_idx %arg5[%add3A_450], %add3A_410 {add = true} : memref<24592xi32, #tpu.memory_space<vmem>>[vector<16xi32>], vector<16xi32>,
      }
      %scan3A_96 = arith.constant 256 : i32
      %scan3A_97 = arith.constant 0 : i32
      %scan3A_98 = arith.constant 0 : i32
      %scan3A_99 = arith.constant 96 : i32
      %scan3A_100 = arith.addi %scan3A_98, %scan3A_99 : i32
      %scan3A_101 = arith.constant 1 : i32
      scf.for %scan3A_108 = %scan3A_98 to %scan3A_100 step %scan3A_101  : i32 {
        %mul3A_109 = arith.constant 16 : i32
        %mul3A_110 = arith.muli %scan3A_108, %mul3A_109 : i32
        %add3A_111 = arith.constant 0 : i32
        %add3A_112 = arith.addi %add3A_111, %mul3A_110 : i32
        %get3A = arith.index_cast %add3A_112 : i32 to index
        %get3A_113 = tpu.vector_load %arg5[%get3A] {strides = array<i32>} : memref<24592xi32, #tpu.memory_space<vmem>>, vector<16xi32>,
        %shift_right_arithmetic3A = arith.constant 19 : i32
        %shift_right_arithmetic3A_114 = vector.broadcast %shift_right_arithmetic3A : i32 to vector<16xi32>
        %shift_right_arithmetic3A_115 = arith.shrsi %get3A_113, %shift_right_arithmetic3A_114 : vector<16xi32>
        %add3A_116 = arith.addi %broadcast_in_dim3A_50, %shift_right_arithmetic3A_115 : vector<16xi32>
        %and3A_117 = arith.constant 524287 : i32
        %and3A_118 = vector.broadcast %and3A_117 : i32 to vector<16xi32>
        %and3A_119 = arith.andi %get3A_113, %and3A_118 : vector<16xi32>
        %add3A_120 = arith.addi %broadcast_in_dim3A_50, %and3A_119 : vector<16xi32>
        %swap3A = arith.index_cast %add3A_112 : i32 to index
        %swap3A_121 = tpu.vector_load %arg5[%swap3A] {strides = array<i32>} : memref<24592xi32, #tpu.memory_space<vmem>>, vector<16xi32>,
        tpu.vector_store %arg5[%swap3A], %broadcast_in_dim3A_50 {strides = array<i32>} : memref<24592xi32, #tpu.memory_space<vmem>>, vector<16xi32>,
        %mul3A_122 = arith.constant 16 : i32
        %mul3A_123 = arith.muli %scan3A_108, %mul3A_122 : i32
        %add3A_124 = arith.constant 1537 : i32
        %add3A_125 = arith.addi %add3A_124, %mul3A_123 : i32
        %get3A_126 = arith.index_cast %add3A_125 : i32 to index
        %get3A_127 = tpu.vector_load %arg5[%get3A_126] {strides = array<i32>} : memref<24592xi32, #tpu.memory_space<vmem>>, vector<16xi32>,
        %shift_right_arithmetic3A_128 = arith.constant 19 : i32
        %shift_right_arithmetic3A_129 = vector.broadcast %shift_right_arithmetic3A_128 : i32 to vector<16xi32>
        %shift_right_arithmetic3A_130 = arith.shrsi %get3A_127, %shift_right_arithmetic3A_129 : vector<16xi32>
        %add3A_131 = arith.addi %add3A_116, %shift_right_arithmetic3A_130 : vector<16xi32>
        %and3A_132 = arith.constant 524287 : i32
        %and3A_133 = vector.broadcast %and3A_132 : i32 to vector<16xi32>
        %and3A_134 = arith.andi %get3A_127, %and3A_133 : vector<16xi32>
        %add3A_135 = arith.addi %add3A_120, %and3A_134 : vector<16xi32>
        %swap3A_136 = arith.index_cast %add3A_125 : i32 to index
        %swap3A_137 = tpu.vector_load %arg5[%swap3A_136] {strides = array<i32>} : memref<24592xi32, #tpu.memory_space<vmem>>, vector<16xi32>,
        tpu.vector_store %arg5[%swap3A_136], %broadcast_in_dim3A_50 {strides = array<i32>} : memref<24592xi32, #tpu.memory_space<vmem>>, vector<16xi32>,
        %mul3A_138 = arith.constant 16 : i32
        %mul3A_139 = arith.muli %scan3A_108, %mul3A_138 : i32
        %add3A_140 = arith.constant 3074 : i32
        %add3A_141 = arith.addi %add3A_140, %mul3A_139 : i32
        %get3A_142 = arith.index_cast %add3A_141 : i32 to index
        %get3A_143 = tpu.vector_load %arg5[%get3A_142] {strides = array<i32>} : memref<24592xi32, #tpu.memory_space<vmem>>, vector<16xi32>,
        %shift_right_arithmetic3A_144 = arith.constant 19 : i32
        %shift_right_arithmetic3A_145 = vector.broadcast %shift_right_arithmetic3A_144 : i32 to vector<16xi32>
        %shift_right_arithmetic3A_146 = arith.shrsi %get3A_143, %shift_right_arithmetic3A_145 : vector<16xi32>
        %add3A_147 = arith.addi %add3A_131, %shift_right_arithmetic3A_146 : vector<16xi32>
        %and3A_148 = arith.constant 524287 : i32
        %and3A_149 = vector.broadcast %and3A_148 : i32 to vector<16xi32>
        %and3A_150 = arith.andi %get3A_143, %and3A_149 : vector<16xi32>
        %add3A_151 = arith.addi %add3A_135, %and3A_150 : vector<16xi32>
        %swap3A_152 = arith.index_cast %add3A_141 : i32 to index
        %swap3A_153 = tpu.vector_load %arg5[%swap3A_152] {strides = array<i32>} : memref<24592xi32, #tpu.memory_space<vmem>>, vector<16xi32>,
        tpu.vector_store %arg5[%swap3A_152], %broadcast_in_dim3A_50 {strides = array<i32>} : memref<24592xi32, #tpu.memory_space<vmem>>, vector<16xi32>,
        %mul3A_154 = arith.constant 16 : i32
        %mul3A_155 = arith.muli %scan3A_108, %mul3A_154 : i32
        %add3A_156 = arith.constant 4611 : i32
        %add3A_157 = arith.addi %add3A_156, %mul3A_155 : i32
        %get3A_158 = arith.index_cast %add3A_157 : i32 to index
        %get3A_159 = tpu.vector_load %arg5[%get3A_158] {strides = array<i32>} : memref<24592xi32, #tpu.memory_space<vmem>>, vector<16xi32>,
        %shift_right_arithmetic3A_160 = arith.constant 19 : i32
        %shift_right_arithmetic3A_161 = vector.broadcast %shift_right_arithmetic3A_160 : i32 to vector<16xi32>
        %shift_right_arithmetic3A_162 = arith.shrsi %get3A_159, %shift_right_arithmetic3A_161 : vector<16xi32>
        %add3A_163 = arith.addi %add3A_147, %shift_right_arithmetic3A_162 : vector<16xi32>
        %and3A_164 = arith.constant 524287 : i32
        %and3A_165 = vector.broadcast %and3A_164 : i32 to vector<16xi32>
        %and3A_166 = arith.andi %get3A_159, %and3A_165 : vector<16xi32>
        %add3A_167 = arith.addi %add3A_151, %and3A_166 : vector<16xi32>
        %swap3A_168 = arith.index_cast %add3A_157 : i32 to index
        %swap3A_169 = tpu.vector_load %arg5[%swap3A_168] {strides = array<i32>} : memref<24592xi32, #tpu.memory_space<vmem>>, vector<16xi32>,
        tpu.vector_store %arg5[%swap3A_168], %broadcast_in_dim3A_50 {strides = array<i32>} : memref<24592xi32, #tpu.memory_space<vmem>>, vector<16xi32>,
        %mul3A_170 = arith.constant 16 : i32
        %mul3A_171 = arith.muli %scan3A_108, %mul3A_170 : i32
        %add3A_172 = arith.constant 6148 : i32
        %add3A_173 = arith.addi %add3A_172, %mul3A_171 : i32
        %get3A_174 = arith.index_cast %add3A_173 : i32 to index
        %get3A_175 = tpu.vector_load %arg5[%get3A_174] {strides = array<i32>} : memref<24592xi32, #tpu.memory_space<vmem>>, vector<16xi32>,
        %shift_right_arithmetic3A_176 = arith.constant 19 : i32
        %shift_right_arithmetic3A_177 = vector.broadcast %shift_right_arithmetic3A_176 : i32 to vector<16xi32>
        %shift_right_arithmetic3A_178 = arith.shrsi %get3A_175, %shift_right_arithmetic3A_177 : vector<16xi32>
        %add3A_179 = arith.addi %add3A_163, %shift_right_arithmetic3A_178 : vector<16xi32>
        %and3A_180 = arith.constant 524287 : i32
        %and3A_181 = vector.broadcast %and3A_180 : i32 to vector<16xi32>
        %and3A_182 = arith.andi %get3A_175, %and3A_181 : vector<16xi32>
        %add3A_183 = arith.addi %add3A_167, %and3A_182 : vector<16xi32>
        %swap3A_184 = arith.index_cast %add3A_173 : i32 to index
        %swap3A_185 = tpu.vector_load %arg5[%swap3A_184] {strides = array<i32>} : memref<24592xi32, #tpu.memory_space<vmem>>, vector<16xi32>,
        tpu.vector_store %arg5[%swap3A_184], %broadcast_in_dim3A_50 {strides = array<i32>} : memref<24592xi32, #tpu.memory_space<vmem>>, vector<16xi32>,
        %mul3A_186 = arith.constant 16 : i32
        %mul3A_187 = arith.muli %scan3A_108, %mul3A_186 : i32
        %add3A_188 = arith.constant 7685 : i32
        %add3A_189 = arith.addi %add3A_188, %mul3A_187 : i32
        %get3A_190 = arith.index_cast %add3A_189 : i32 to index
        %get3A_191 = tpu.vector_load %arg5[%get3A_190] {strides = array<i32>} : memref<24592xi32, #tpu.memory_space<vmem>>, vector<16xi32>,
        %shift_right_arithmetic3A_192 = arith.constant 19 : i32
        %shift_right_arithmetic3A_193 = vector.broadcast %shift_right_arithmetic3A_192 : i32 to vector<16xi32>
        %shift_right_arithmetic3A_194 = arith.shrsi %get3A_191, %shift_right_arithmetic3A_193 : vector<16xi32>
        %add3A_195 = arith.addi %add3A_179, %shift_right_arithmetic3A_194 : vector<16xi32>
        %and3A_196 = arith.constant 524287 : i32
        %and3A_197 = vector.broadcast %and3A_196 : i32 to vector<16xi32>
        %and3A_198 = arith.andi %get3A_191, %and3A_197 : vector<16xi32>
        %add3A_199 = arith.addi %add3A_183, %and3A_198 : vector<16xi32>
        %swap3A_200 = arith.index_cast %add3A_189 : i32 to index
        %swap3A_201 = tpu.vector_load %arg5[%swap3A_200] {strides = array<i32>} : memref<24592xi32, #tpu.memory_space<vmem>>, vector<16xi32>,
        tpu.vector_store %arg5[%swap3A_200], %broadcast_in_dim3A_50 {strides = array<i32>} : memref<24592xi32, #tpu.memory_space<vmem>>, vector<16xi32>,
        %mul3A_202 = arith.constant 16 : i32
        %mul3A_203 = arith.muli %scan3A_108, %mul3A_202 : i32
        %add3A_204 = arith.constant 9222 : i32
        %add3A_205 = arith.addi %add3A_204, %mul3A_203 : i32
        %get3A_206 = arith.index_cast %add3A_205 : i32 to index
        %get3A_207 = tpu.vector_load %arg5[%get3A_206] {strides = array<i32>} : memref<24592xi32, #tpu.memory_space<vmem>>, vector<16xi32>,
        %shift_right_arithmetic3A_208 = arith.constant 19 : i32
        %shift_right_arithmetic3A_209 = vector.broadcast %shift_right_arithmetic3A_208 : i32 to vector<16xi32>
        %shift_right_arithmetic3A_210 = arith.shrsi %get3A_207, %shift_right_arithmetic3A_209 : vector<16xi32>
        %add3A_211 = arith.addi %add3A_195, %shift_right_arithmetic3A_210 : vector<16xi32>
        %and3A_212 = arith.constant 524287 : i32
        %and3A_213 = vector.broadcast %and3A_212 : i32 to vector<16xi32>
        %and3A_214 = arith.andi %get3A_207, %and3A_213 : vector<16xi32>
        %add3A_215 = arith.addi %add3A_199, %and3A_214 : vector<16xi32>
        %swap3A_216 = arith.index_cast %add3A_205 : i32 to index
        %swap3A_217 = tpu.vector_load %arg5[%swap3A_216] {strides = array<i32>} : memref<24592xi32, #tpu.memory_space<vmem>>, vector<16xi32>,
        tpu.vector_store %arg5[%swap3A_216], %broadcast_in_dim3A_50 {strides = array<i32>} : memref<24592xi32, #tpu.memory_space<vmem>>, vector<16xi32>,
        %mul3A_218 = arith.constant 16 : i32
        %mul3A_219 = arith.muli %scan3A_108, %mul3A_218 : i32
        %add3A_220 = arith.constant 10759 : i32
        %add3A_221 = arith.addi %add3A_220, %mul3A_219 : i32
        %get3A_222 = arith.index_cast %add3A_221 : i32 to index
        %get3A_223 = tpu.vector_load %arg5[%get3A_222] {strides = array<i32>} : memref<24592xi32, #tpu.memory_space<vmem>>, vector<16xi32>,
        %shift_right_arithmetic3A_224 = arith.constant 19 : i32
        %shift_right_arithmetic3A_225 = vector.broadcast %shift_right_arithmetic3A_224 : i32 to vector<16xi32>
        %shift_right_arithmetic3A_226 = arith.shrsi %get3A_223, %shift_right_arithmetic3A_225 : vector<16xi32>
        %add3A_227 = arith.addi %add3A_211, %shift_right_arithmetic3A_226 : vector<16xi32>
        %and3A_228 = arith.constant 524287 : i32
        %and3A_229 = vector.broadcast %and3A_228 : i32 to vector<16xi32>
        %and3A_230 = arith.andi %get3A_223, %and3A_229 : vector<16xi32>
        %add3A_231 = arith.addi %add3A_215, %and3A_230 : vector<16xi32>
        %swap3A_232 = arith.index_cast %add3A_221 : i32 to index
        %swap3A_233 = tpu.vector_load %arg5[%swap3A_232] {strides = array<i32>} : memref<24592xi32, #tpu.memory_space<vmem>>, vector<16xi32>,
        tpu.vector_store %arg5[%swap3A_232], %broadcast_in_dim3A_50 {strides = array<i32>} : memref<24592xi32, #tpu.memory_space<vmem>>, vector<16xi32>,
        %mul3A_234 = arith.constant 16 : i32
        %mul3A_235 = arith.muli %scan3A_108, %mul3A_234 : i32
        %add3A_236 = arith.constant 12296 : i32
        %add3A_237 = arith.addi %add3A_236, %mul3A_235 : i32
        %get3A_238 = arith.index_cast %add3A_237 : i32 to index
        %get3A_239 = tpu.vector_load %arg5[%get3A_238] {strides = array<i32>} : memref<24592xi32, #tpu.memory_space<vmem>>, vector<16xi32>,
        %shift_right_arithmetic3A_240 = arith.constant 19 : i32
        %shift_right_arithmetic3A_241 = vector.broadcast %shift_right_arithmetic3A_240 : i32 to vector<16xi32>
        %shift_right_arithmetic3A_242 = arith.shrsi %get3A_239, %shift_right_arithmetic3A_241 : vector<16xi32>
        %add3A_243 = arith.addi %add3A_227, %shift_right_arithmetic3A_242 : vector<16xi32>
        %and3A_244 = arith.constant 524287 : i32
        %and3A_245 = vector.broadcast %and3A_244 : i32 to vector<16xi32>
        %and3A_246 = arith.andi %get3A_239, %and3A_245 : vector<16xi32>
        %add3A_247 = arith.addi %add3A_231, %and3A_246 : vector<16xi32>
        %swap3A_248 = arith.index_cast %add3A_237 : i32 to index
        %swap3A_249 = tpu.vector_load %arg5[%swap3A_248] {strides = array<i32>} : memref<24592xi32, #tpu.memory_space<vmem>>, vector<16xi32>,
        tpu.vector_store %arg5[%swap3A_248], %broadcast_in_dim3A_50 {strides = array<i32>} : memref<24592xi32, #tpu.memory_space<vmem>>, vector<16xi32>,
        %mul3A_250 = arith.constant 16 : i32
        %mul3A_251 = arith.muli %scan3A_108, %mul3A_250 : i32
        %add3A_252 = arith.constant 13833 : i32
        %add3A_253 = arith.addi %add3A_252, %mul3A_251 : i32
        %get3A_254 = arith.index_cast %add3A_253 : i32 to index
        %get3A_255 = tpu.vector_load %arg5[%get3A_254] {strides = array<i32>} : memref<24592xi32, #tpu.memory_space<vmem>>, vector<16xi32>,
        %shift_right_arithmetic3A_256 = arith.constant 19 : i32
        %shift_right_arithmetic3A_257 = vector.broadcast %shift_right_arithmetic3A_256 : i32 to vector<16xi32>
        %shift_right_arithmetic3A_258 = arith.shrsi %get3A_255, %shift_right_arithmetic3A_257 : vector<16xi32>
        %add3A_259 = arith.addi %add3A_243, %shift_right_arithmetic3A_258 : vector<16xi32>
        %and3A_260 = arith.constant 524287 : i32
        %and3A_261 = vector.broadcast %and3A_260 : i32 to vector<16xi32>
        %and3A_262 = arith.andi %get3A_255, %and3A_261 : vector<16xi32>
        %add3A_263 = arith.addi %add3A_247, %and3A_262 : vector<16xi32>
        %swap3A_264 = arith.index_cast %add3A_253 : i32 to index
        %swap3A_265 = tpu.vector_load %arg5[%swap3A_264] {strides = array<i32>} : memref<24592xi32, #tpu.memory_space<vmem>>, vector<16xi32>,
        tpu.vector_store %arg5[%swap3A_264], %broadcast_in_dim3A_50 {strides = array<i32>} : memref<24592xi32, #tpu.memory_space<vmem>>, vector<16xi32>,
        %mul3A_266 = arith.constant 16 : i32
        %mul3A_267 = arith.muli %scan3A_108, %mul3A_266 : i32
        %add3A_268 = arith.constant 15370 : i32
        %add3A_269 = arith.addi %add3A_268, %mul3A_267 : i32
        %get3A_270 = arith.index_cast %add3A_269 : i32 to index
        %get3A_271 = tpu.vector_load %arg5[%get3A_270] {strides = array<i32>} : memref<24592xi32, #tpu.memory_space<vmem>>, vector<16xi32>,
        %shift_right_arithmetic3A_272 = arith.constant 19 : i32
        %shift_right_arithmetic3A_273 = vector.broadcast %shift_right_arithmetic3A_272 : i32 to vector<16xi32>
        %shift_right_arithmetic3A_274 = arith.shrsi %get3A_271, %shift_right_arithmetic3A_273 : vector<16xi32>
        %add3A_275 = arith.addi %add3A_259, %shift_right_arithmetic3A_274 : vector<16xi32>
        %and3A_276 = arith.constant 524287 : i32
        %and3A_277 = vector.broadcast %and3A_276 : i32 to vector<16xi32>
        %and3A_278 = arith.andi %get3A_271, %and3A_277 : vector<16xi32>
        %add3A_279 = arith.addi %add3A_263, %and3A_278 : vector<16xi32>
        %swap3A_280 = arith.index_cast %add3A_269 : i32 to index
        %swap3A_281 = tpu.vector_load %arg5[%swap3A_280] {strides = array<i32>} : memref<24592xi32, #tpu.memory_space<vmem>>, vector<16xi32>,
        tpu.vector_store %arg5[%swap3A_280], %broadcast_in_dim3A_50 {strides = array<i32>} : memref<24592xi32, #tpu.memory_space<vmem>>, vector<16xi32>,
        %mul3A_282 = arith.constant 16 : i32
        %mul3A_283 = arith.muli %scan3A_108, %mul3A_282 : i32
        %add3A_284 = arith.constant 16907 : i32
        %add3A_285 = arith.addi %add3A_284, %mul3A_283 : i32
        %get3A_286 = arith.index_cast %add3A_285 : i32 to index
        %get3A_287 = tpu.vector_load %arg5[%get3A_286] {strides = array<i32>} : memref<24592xi32, #tpu.memory_space<vmem>>, vector<16xi32>,
        %shift_right_arithmetic3A_288 = arith.constant 19 : i32
        %shift_right_arithmetic3A_289 = vector.broadcast %shift_right_arithmetic3A_288 : i32 to vector<16xi32>
        %shift_right_arithmetic3A_290 = arith.shrsi %get3A_287, %shift_right_arithmetic3A_289 : vector<16xi32>
        %add3A_291 = arith.addi %add3A_275, %shift_right_arithmetic3A_290 : vector<16xi32>
        %and3A_292 = arith.constant 524287 : i32
        %and3A_293 = vector.broadcast %and3A_292 : i32 to vector<16xi32>
        %and3A_294 = arith.andi %get3A_287, %and3A_293 : vector<16xi32>
        %add3A_295 = arith.addi %add3A_279, %and3A_294 : vector<16xi32>
        %swap3A_296 = arith.index_cast %add3A_285 : i32 to index
        %swap3A_297 = tpu.vector_load %arg5[%swap3A_296] {strides = array<i32>} : memref<24592xi32, #tpu.memory_space<vmem>>, vector<16xi32>,
        tpu.vector_store %arg5[%swap3A_296], %broadcast_in_dim3A_50 {strides = array<i32>} : memref<24592xi32, #tpu.memory_space<vmem>>, vector<16xi32>,
        %mul3A_298 = arith.constant 16 : i32
        %mul3A_299 = arith.muli %scan3A_108, %mul3A_298 : i32
        %add3A_300 = arith.constant 18444 : i32
        %add3A_301 = arith.addi %add3A_300, %mul3A_299 : i32
        %get3A_302 = arith.index_cast %add3A_301 : i32 to index
        %get3A_303 = tpu.vector_load %arg5[%get3A_302] {strides = array<i32>} : memref<24592xi32, #tpu.memory_space<vmem>>, vector<16xi32>,
        %shift_right_arithmetic3A_304 = arith.constant 19 : i32
        %shift_right_arithmetic3A_305 = vector.broadcast %shift_right_arithmetic3A_304 : i32 to vector<16xi32>
        %shift_right_arithmetic3A_306 = arith.shrsi %get3A_303, %shift_right_arithmetic3A_305 : vector<16xi32>
        %add3A_307 = arith.addi %add3A_291, %shift_right_arithmetic3A_306 : vector<16xi32>
        %and3A_308 = arith.constant 524287 : i32
        %and3A_309 = vector.broadcast %and3A_308 : i32 to vector<16xi32>
        %and3A_310 = arith.andi %get3A_303, %and3A_309 : vector<16xi32>
        %add3A_311 = arith.addi %add3A_295, %and3A_310 : vector<16xi32>
        %swap3A_312 = arith.index_cast %add3A_301 : i32 to index
        %swap3A_313 = tpu.vector_load %arg5[%swap3A_312] {strides = array<i32>} : memref<24592xi32, #tpu.memory_space<vmem>>, vector<16xi32>,
        tpu.vector_store %arg5[%swap3A_312], %broadcast_in_dim3A_50 {strides = array<i32>} : memref<24592xi32, #tpu.memory_space<vmem>>, vector<16xi32>,
        %mul3A_314 = arith.constant 16 : i32
        %mul3A_315 = arith.muli %scan3A_108, %mul3A_314 : i32
        %add3A_316 = arith.constant 19981 : i32
        %add3A_317 = arith.addi %add3A_316, %mul3A_315 : i32
        %get3A_318 = arith.index_cast %add3A_317 : i32 to index
        %get3A_319 = tpu.vector_load %arg5[%get3A_318] {strides = array<i32>} : memref<24592xi32, #tpu.memory_space<vmem>>, vector<16xi32>,
        %shift_right_arithmetic3A_320 = arith.constant 19 : i32
        %shift_right_arithmetic3A_321 = vector.broadcast %shift_right_arithmetic3A_320 : i32 to vector<16xi32>
        %shift_right_arithmetic3A_322 = arith.shrsi %get3A_319, %shift_right_arithmetic3A_321 : vector<16xi32>
        %add3A_323 = arith.addi %add3A_307, %shift_right_arithmetic3A_322 : vector<16xi32>
        %and3A_324 = arith.constant 524287 : i32
        %and3A_325 = vector.broadcast %and3A_324 : i32 to vector<16xi32>
        %and3A_326 = arith.andi %get3A_319, %and3A_325 : vector<16xi32>
        %add3A_327 = arith.addi %add3A_311, %and3A_326 : vector<16xi32>
        %swap3A_328 = arith.index_cast %add3A_317 : i32 to index
        %swap3A_329 = tpu.vector_load %arg5[%swap3A_328] {strides = array<i32>} : memref<24592xi32, #tpu.memory_space<vmem>>, vector<16xi32>,
        tpu.vector_store %arg5[%swap3A_328], %broadcast_in_dim3A_50 {strides = array<i32>} : memref<24592xi32, #tpu.memory_space<vmem>>, vector<16xi32>,
        %mul3A_330 = arith.constant 16 : i32
        %mul3A_331 = arith.muli %scan3A_108, %mul3A_330 : i32
        %add3A_332 = arith.constant 21518 : i32
        %add3A_333 = arith.addi %add3A_332, %mul3A_331 : i32
        %get3A_334 = arith.index_cast %add3A_333 : i32 to index
        %get3A_335 = tpu.vector_load %arg5[%get3A_334] {strides = array<i32>} : memref<24592xi32, #tpu.memory_space<vmem>>, vector<16xi32>,
        %shift_right_arithmetic3A_336 = arith.constant 19 : i32
        %shift_right_arithmetic3A_337 = vector.broadcast %shift_right_arithmetic3A_336 : i32 to vector<16xi32>
        %shift_right_arithmetic3A_338 = arith.shrsi %get3A_335, %shift_right_arithmetic3A_337 : vector<16xi32>
        %add3A_339 = arith.addi %add3A_323, %shift_right_arithmetic3A_338 : vector<16xi32>
        %and3A_340 = arith.constant 524287 : i32
        %and3A_341 = vector.broadcast %and3A_340 : i32 to vector<16xi32>
        %and3A_342 = arith.andi %get3A_335, %and3A_341 : vector<16xi32>
        %add3A_343 = arith.addi %add3A_327, %and3A_342 : vector<16xi32>
        %swap3A_344 = arith.index_cast %add3A_333 : i32 to index
        %swap3A_345 = tpu.vector_load %arg5[%swap3A_344] {strides = array<i32>} : memref<24592xi32, #tpu.memory_space<vmem>>, vector<16xi32>,
        tpu.vector_store %arg5[%swap3A_344], %broadcast_in_dim3A_50 {strides = array<i32>} : memref<24592xi32, #tpu.memory_space<vmem>>, vector<16xi32>,
        %mul3A_346 = arith.constant 16 : i32
        %mul3A_347 = arith.muli %scan3A_108, %mul3A_346 : i32
        %add3A_348 = arith.constant 23055 : i32
        %add3A_349 = arith.addi %add3A_348, %mul3A_347 : i32
        %get3A_350 = arith.index_cast %add3A_349 : i32 to index
        %get3A_351 = tpu.vector_load %arg5[%get3A_350] {strides = array<i32>} : memref<24592xi32, #tpu.memory_space<vmem>>, vector<16xi32>,
        %shift_right_arithmetic3A_352 = arith.constant 19 : i32
        %shift_right_arithmetic3A_353 = vector.broadcast %shift_right_arithmetic3A_352 : i32 to vector<16xi32>
        %shift_right_arithmetic3A_354 = arith.shrsi %get3A_351, %shift_right_arithmetic3A_353 : vector<16xi32>
        %add3A_355 = arith.addi %add3A_339, %shift_right_arithmetic3A_354 : vector<16xi32>
        %and3A_356 = arith.constant 524287 : i32
        %and3A_357 = vector.broadcast %and3A_356 : i32 to vector<16xi32>
        %and3A_358 = arith.andi %get3A_351, %and3A_357 : vector<16xi32>
        %add3A_359 = arith.addi %add3A_343, %and3A_358 : vector<16xi32>
        %swap3A_360 = arith.index_cast %add3A_349 : i32 to index
        %swap3A_361 = tpu.vector_load %arg5[%swap3A_360] {strides = array<i32>} : memref<24592xi32, #tpu.memory_space<vmem>>, vector<16xi32>,
        tpu.vector_store %arg5[%swap3A_360], %broadcast_in_dim3A_50 {strides = array<i32>} : memref<24592xi32, #tpu.memory_space<vmem>>, vector<16xi32>,
        %mul3A_362 = arith.constant 16 : i32
        %mul3A_363 = arith.muli %scan3A_108, %mul3A_362 : i32
        %swap3A_364 = arith.index_cast %mul3A_363 : i32 to index
        %swap3A_365 = tpu.vector_load %arg8[%swap3A_364] {strides = array<i32>} : memref<3072xi32, #tpu.memory_space<vmem>>, vector<16xi32>,
        tpu.vector_store %arg8[%swap3A_364], %add3A_355 {strides = array<i32>} : memref<3072xi32, #tpu.memory_space<vmem>>, vector<16xi32>,
        %mul3A_366 = arith.constant 16 : i32
        %mul3A_367 = arith.muli %scan3A_108, %mul3A_366 : i32
        %add3A_368 = arith.constant 1536 : i32
        %add3A_369 = arith.addi %add3A_368, %mul3A_367 : i32
        %swap3A_370 = arith.index_cast %add3A_369 : i32 to index
        %swap3A_371 = tpu.vector_load %arg8[%swap3A_370] {strides = array<i32>} : memref<3072xi32, #tpu.memory_space<vmem>>, vector<16xi32>,
        tpu.vector_store %arg8[%swap3A_370], %add3A_359 {strides = array<i32>} : memref<3072xi32, #tpu.memory_space<vmem>>, vector<16xi32>,
      }
      %scan3A_102 = arith.constant 96 : i32
      %mul3A_103 = arith.constant 32 : i32
      %mul3A_104 = arith.muli %scan3A_62, %mul3A_103 : i32
      %add3A_105 = arith.addi %mul3A_104, %add3A : i32
      %mul3A_106 = arith.constant 3072 : i32
      %mul3A_107 = arith.muli %add3A_105, %mul3A_106 : i32
      "tpu.region"() ({
        %run_scoped3A = tpu.sem_alloc : memref<!tpu.dma_semaphore, #tpu.memory_space<semaphore_mem>>
        %dma_start3A_108 = tpu.memref_slice %arg4[%mul3A_107] : memref<2064384xi32, #tpu.memory_space<hbm>> -> memref<3072xi32, #tpu.memory_space<hbm>>
        %dma_start3A_109 = tpu.memref_slice %arg4[%mul3A_107] : memref<2064384xi32, #tpu.memory_space<hbm>> -> memref<3072xi32, #tpu.memory_space<hbm>>
        tpu.enqueue_dma source(%arg8 : memref<3072xi32, #tpu.memory_space<vmem>>) target(%dma_start3A_109 : memref<3072xi32, #tpu.memory_space<hbm>>) target_semaphore(%run_scoped3A : memref<!tpu.dma_semaphore, #tpu.memory_space<semaphore_mem>>)
        %dma_wait3A_110 = tpu.memref_slice %arg4[%mul3A_107] : memref<2064384xi32, #tpu.memory_space<hbm>> -> memref<3072xi32, #tpu.memory_space<hbm>>
        %dma_wait3A_111 = tpu.memref_slice %arg4[%mul3A_107] : memref<2064384xi32, #tpu.memory_space<hbm>> -> memref<3072xi32, #tpu.memory_space<hbm>>
        tpu.wait_dma2 semaphore(%run_scoped3A : memref<!tpu.dma_semaphore, #tpu.memory_space<semaphore_mem>>) src(%arg8 : memref<3072xi32, #tpu.memory_space<vmem>>) dst(%dma_wait3A_111 : memref<3072xi32, #tpu.memory_space<hbm>>)
        tpu.yield
      }) : () -> ()
    }
    %scan3A_61 = arith.constant 21 : i32
    return
  }
}

module attributes {stable_mosaic.version = 14 : i64} {
  func.func @_tc_post_body(%arg0: i32, %arg1: memref<1x32x3072xi32, #tpu.memory_space<vmem>>, %arg2: memref<1x1x128xf32, #tpu.memory_space<vmem>>) attributes {dimension_semantics = [#tpu.dimension_semantics<arbitrary>], iteration_bounds = array<i64: 21>, scalar_prefetch = 0 : i64, scratch_operands = 0 : i64, tpu.core_type = #tpu.core_type<tc>, window_params = [{transform_indices = @transform_0, window_bounds = array<i64: 1, 32, 3072>}, {transform_indices = @transform_1, window_bounds = array<i64: 1, 1, 128>}]} {
    %get3A = arith.constant 0 : index
    %get3A_0 = arith.constant 0 : index
    %get3A_1 = arith.constant 0 : index
    %get3A_2 = vector.load %arg1[%get3A, %get3A_0, %get3A_1] : memref<1x32x3072xi32, #tpu.memory_space<vmem>>, vector<1x32x3072xi32>
    %convert_element_type3A = arith.sitofp %get3A_2 : vector<1x32x3072xi32> to vector<1x32x3072xf32>
    %reduce_sum3A = arith.constant dense<0.000000e+00> : vector<1x3072xf32>
    %reduce_sum3A_3 = vector.multi_reduction <add>, %convert_element_type3A, %reduce_sum3A [1] : vector<1x32x3072xf32> to vector<1x3072xf32>
    %slice3A = vector.extract_strided_slice %reduce_sum3A_3 {offsets = [0, 0], sizes = [1, 768], strides = [1, 1]} : vector<1x3072xf32> to vector<1x768xf32>
    %slice3A_4 = vector.extract_strided_slice %reduce_sum3A_3 {offsets = [0, 768], sizes = [1, 768], strides = [1, 1]} : vector<1x3072xf32> to vector<1x768xf32>
    %slice3A_5 = vector.extract_strided_slice %reduce_sum3A_3 {offsets = [0, 1536], sizes = [1, 768], strides = [1, 1]} : vector<1x3072xf32> to vector<1x768xf32>
    %slice3A_6 = vector.extract_strided_slice %reduce_sum3A_3 {offsets = [0, 2304], sizes = [1, 768], strides = [1, 1]} : vector<1x3072xf32> to vector<1x768xf32>
    %iota3A = tpu.iota {dimensions = array<i32: 1>} : vector<1x768xi32>
    %add3A = arith.constant 3584 : i32
    %add3A_7 = vector.broadcast %add3A : i32 to vector<1x768xi32>
    %add3A_8 = arith.addi %iota3A, %add3A_7 : vector<1x768xi32>
    %shift_left3A = arith.constant 18 : i32
    %shift_left3A_9 = vector.broadcast %shift_left3A : i32 to vector<1x768xi32>
    %shift_left3A_10 = arith.shli %add3A_8, %shift_left3A_9 : vector<1x768xi32>
    %bitcast_convert_type3A = tpu.bitcast %shift_left3A_10 : vector<1x768xi32> -> vector<1x768xf32>
    %shift_right_arithmetic3A = arith.constant 5 : i32
    %shift_right_arithmetic3A_11 = vector.broadcast %shift_right_arithmetic3A : i32 to vector<1x768xi32>
    %shift_right_arithmetic3A_12 = arith.shrsi %add3A_8, %shift_right_arithmetic3A_11 : vector<1x768xi32>
    %shift_left3A_13 = arith.constant 23 : i32
    %shift_left3A_14 = vector.broadcast %shift_left3A_13 : i32 to vector<1x768xi32>
    %shift_left3A_15 = arith.shli %shift_right_arithmetic3A_12, %shift_left3A_14 : vector<1x768xi32>
    %bitcast_convert_type3A_16 = tpu.bitcast %shift_left3A_15 : vector<1x768xi32> -> vector<1x768xf32>
    %mul3A = arith.constant 1.22070313E-4 : f32
    %mul3A_17 = vector.broadcast %mul3A : f32 to vector<1x768xf32>
    %mul3A_18 = arith.mulf %bitcast_convert_type3A_16, %mul3A_17 : vector<1x768xf32>
    %mul3A_19 = arith.mulf %slice3A, %bitcast_convert_type3A : vector<1x768xf32>
    %mul3A_20 = arith.constant 5.000000e-01 : f32
    %mul3A_21 = vector.broadcast %mul3A_20 : f32 to vector<1x768xf32>
    %mul3A_22 = arith.mulf %mul3A_21, %slice3A : vector<1x768xf32>
    %add3A_23 = arith.addf %slice3A_5, %mul3A_22 : vector<1x768xf32>
    %mul3A_24 = arith.mulf %add3A_23, %mul3A_18 : vector<1x768xf32>
    %add3A_25 = arith.addf %mul3A_19, %mul3A_24 : vector<1x768xf32>
    %mul3A_26 = arith.mulf %slice3A_4, %bitcast_convert_type3A : vector<1x768xf32>
    %mul3A_27 = arith.constant 5.000000e-01 : f32
    %mul3A_28 = vector.broadcast %mul3A_27 : f32 to vector<1x768xf32>
    %mul3A_29 = arith.mulf %mul3A_28, %slice3A_4 : vector<1x768xf32>
    %add3A_30 = arith.addf %slice3A_6, %mul3A_29 : vector<1x768xf32>
    %mul3A_31 = arith.mulf %add3A_30, %mul3A_18 : vector<1x768xf32>
    %add3A_32 = arith.addf %mul3A_26, %mul3A_31 : vector<1x768xf32>
    %add3A_33 = arith.addf %slice3A, %slice3A_4 : vector<1x768xf32>
    %reduce_sum3A_34 = vector.shape_cast %slice3A : vector<1x768xf32> to vector<1x1x768xf32>
    %reduce_sum3A_35 = arith.constant dense<0.000000e+00> : vector<1xf32>
    %reduce_sum3A_36 = vector.multi_reduction <add>, %reduce_sum3A_34, %reduce_sum3A_35 [1, 2] : vector<1x1x768xf32> to vector<1xf32>
    %reduce_sum3A_37 = vector.shape_cast %reduce_sum3A_36 : vector<1xf32> to vector<1x1x1xf32>
    %reduce_sum3A_38 = vector.extract %reduce_sum3A_37[0, 0, 0] : f32 from vector<1x1x1xf32>
    %iota3A_39 = tpu.iota {dimensions = array<i32: 0>} : vector<768x768xi32>
    %iota3A_40 = tpu.iota {dimensions = array<i32: 1>} : vector<768x768xi32>
    %gt3A = arith.cmpi sgt, %iota3A_39, %iota3A_40 : vector<768x768xi32>
    %convert_element_type3A_41 = arith.extui %gt3A : vector<768x768xi1> to vector<768x768xi32>
    %convert_element_type3A_42 = arith.sitofp %convert_element_type3A_41 : vector<768x768xi32> to vector<768x768xf32>
    %dot_general3A = arith.constant dense<0.000000e+00> : vector<1x768xf32>
    %dot_general3A_43 = tpu.matmul %add3A_33, %convert_element_type3A_42, %dot_general3A {dimension_numbers = #tpu.dot_dimension_numbers<[1], [0], [0], [1], [0, 0, 1, 1], [], []>, precision = #tpu.contract_precision<fp32>, transpose_lhs_hint = false} : vector<1x768xf32>, vector<768x768xf32>, vector<1x768xf32> -> vector<1x768xf32>
    %dot_general3A_44 = arith.constant dense<0.000000e+00> : vector<1x768xf32>
    %dot_general3A_45 = tpu.matmul %slice3A, %convert_element_type3A_42, %dot_general3A_44 {dimension_numbers = #tpu.dot_dimension_numbers<[1], [0], [0], [1], [0, 0, 1, 1], [], []>, precision = #tpu.contract_precision<fp32>, transpose_lhs_hint = false} : vector<1x768xf32>, vector<768x768xf32>, vector<1x768xf32> -> vector<1x768xf32>
    %add3A_46 = arith.addf %dot_general3A_43, %add3A_33 : vector<1x768xf32>
    %add3A_47 = arith.addf %dot_general3A_45, %slice3A : vector<1x768xf32>
    %add3A_48 = vector.broadcast %reduce_sum3A_38 : f32 to vector<1x768xf32>
    %add3A_49 = arith.addf %add3A_48, %dot_general3A_43 : vector<1x768xf32>
    %sub3A = arith.subf %add3A_49, %dot_general3A_45 : vector<1x768xf32>
    %add3A_50 = vector.broadcast %reduce_sum3A_38 : f32 to vector<1x768xf32>
    %add3A_51 = arith.addf %add3A_50, %add3A_46 : vector<1x768xf32>
    %sub3A_52 = arith.subf %add3A_51, %add3A_47 : vector<1x768xf32>
    %gt3A_53 = arith.constant 0.000000e+00 : f32
    %gt3A_54 = vector.broadcast %gt3A_53 : f32 to vector<1x768xf32>
    %gt3A_55 = arith.cmpf ogt, %dot_general3A_43, %gt3A_54 : vector<1x768xf32>
    %max3A = arith.constant 9.99999971E-10 : f32
    %max3A_56 = vector.broadcast %max3A : f32 to vector<1x768xf32>
    %max3A_57 = arith.maximumf %sub3A, %max3A_56 : vector<1x768xf32>
    %div3A = arith.divf %dot_general3A_43, %max3A_57 : vector<1x768xf32>
    %jit3A = arith.constant 0.000000e+00 : f32
    %broadcast_in_dim3A = vector.broadcast %jit3A : f32 to vector<1x768xf32>
    %select_n3A = arith.select %gt3A_55, %div3A, %broadcast_in_dim3A : vector<1x768xi1>, vector<1x768xf32>
    %gt3A_58 = arith.constant 0.000000e+00 : f32
    %gt3A_59 = vector.broadcast %gt3A_58 : f32 to vector<1x768xf32>
    %gt3A_60 = arith.cmpf ogt, %add3A_46, %gt3A_59 : vector<1x768xf32>
    %max3A_61 = arith.constant 9.99999971E-10 : f32
    %max3A_62 = vector.broadcast %max3A_61 : f32 to vector<1x768xf32>
    %max3A_63 = arith.maximumf %sub3A_52, %max3A_62 : vector<1x768xf32>
    %div3A_64 = arith.divf %add3A_46, %max3A_63 : vector<1x768xf32>
    %jit3A_65 = arith.constant 0.000000e+00 : f32
    %broadcast_in_dim3A_66 = vector.broadcast %jit3A_65 : f32 to vector<1x768xf32>
    %select_n3A_67 = arith.select %gt3A_60, %div3A_64, %broadcast_in_dim3A_66 : vector<1x768xi1>, vector<1x768xf32>
    %sub3A_68 = arith.subf %select_n3A_67, %select_n3A : vector<1x768xf32>
    %max3A_69 = arith.constant 0.000000e+00 : f32
    %max3A_70 = vector.broadcast %max3A_69 : f32 to vector<1x768xf32>
    %max3A_71 = arith.maximumf %sub3A_68, %max3A_70 : vector<1x768xf32>
    %mul3A_72 = arith.constant 5.000000e-01 : f32
    %mul3A_73 = vector.broadcast %mul3A_72 : f32 to vector<1x768xf32>
    %mul3A_74 = arith.mulf %mul3A_73, %slice3A_4 : vector<1x768xf32>
    %add3A_75 = arith.addf %sub3A, %mul3A_74 : vector<1x768xf32>
    %max3A_76 = arith.constant 5.000000e-01 : f32
    %max3A_77 = vector.broadcast %max3A_76 : f32 to vector<1x768xf32>
    %max3A_78 = arith.maximumf %add3A_75, %max3A_77 : vector<1x768xf32>
    %gt3A_79 = arith.constant 0.000000e+00 : f32
    %gt3A_80 = vector.broadcast %gt3A_79 : f32 to vector<1x768xf32>
    %gt3A_81 = arith.cmpf ogt, %slice3A, %gt3A_80 : vector<1x768xf32>
    %div3A_82 = arith.divf %slice3A, %max3A_78 : vector<1x768xf32>
    %jit3A_83 = arith.constant 0.000000e+00 : f32
    %broadcast_in_dim3A_84 = vector.broadcast %jit3A_83 : f32 to vector<1x768xf32>
    %select_n3A_85 = arith.select %gt3A_81, %div3A_82, %broadcast_in_dim3A_84 : vector<1x768xi1>, vector<1x768xf32>
    %min3A = arith.minimumf %select_n3A_85, %max3A_71 : vector<1x768xf32>
    %sub3A_86 = arith.subf %max3A_71, %min3A : vector<1x768xf32>
    %max3A_87 = arith.constant 1.000000e+00 : f32
    %max3A_88 = vector.broadcast %max3A_87 : f32 to vector<1x768xf32>
    %max3A_89 = arith.maximumf %slice3A, %max3A_88 : vector<1x768xf32>
    %div3A_90 = arith.divf %add3A_25, %max3A_89 : vector<1x768xf32>
    %max3A_91 = arith.constant 1.000000e+00 : f32
    %max3A_92 = vector.broadcast %max3A_91 : f32 to vector<1x768xf32>
    %max3A_93 = arith.maximumf %slice3A_4, %max3A_92 : vector<1x768xf32>
    %div3A_94 = arith.divf %add3A_32, %max3A_93 : vector<1x768xf32>
    %mul3A_95 = arith.mulf %div3A_90, %min3A : vector<1x768xf32>
    %mul3A_96 = arith.mulf %div3A_94, %sub3A_86 : vector<1x768xf32>
    %add3A_97 = arith.addf %mul3A_95, %mul3A_96 : vector<1x768xf32>
    %reduce_sum3A_98 = vector.shape_cast %add3A_97 : vector<1x768xf32> to vector<1x1x768xf32>
    %reduce_sum3A_99 = arith.constant dense<0.000000e+00> : vector<1xf32>
    %reduce_sum3A_100 = vector.multi_reduction <add>, %reduce_sum3A_98, %reduce_sum3A_99 [1, 2] : vector<1x1x768xf32> to vector<1xf32>
    %reduce_sum3A_101 = vector.shape_cast %reduce_sum3A_100 : vector<1xf32> to vector<1x1x1xf32>
    %reduce_sum3A_102 = vector.extract %reduce_sum3A_101[0, 0, 0] : f32 from vector<1x1x1xf32>
    %gt3A_103 = arith.constant 0.000000e+00 : f32
    %gt3A_104 = arith.cmpf ogt, %reduce_sum3A_38, %gt3A_103 : f32
    %convert_element_type3A_105 = arith.extui %gt3A_104 : i1 to i32
    %convert_element_type3A_106 = arith.sitofp %convert_element_type3A_105 : i32 to f32
    %iota3A_107 = tpu.iota {dimensions = array<i32: 2>} : vector<1x1x128xi32>
    %eq3A = arith.constant 0 : i32
    %eq3A_108 = vector.broadcast %eq3A : i32 to vector<1x1x128xi32>
    %eq3A_109 = arith.cmpi eq, %iota3A_107, %eq3A_108 : vector<1x1x128xi32>
    %eq3A_110 = arith.constant 1 : i32
    %eq3A_111 = vector.broadcast %eq3A_110 : i32 to vector<1x1x128xi32>
    %eq3A_112 = arith.cmpi eq, %iota3A_107, %eq3A_111 : vector<1x1x128xi32>
    %jit3A_113 = arith.constant 0.000000e+00 : f32
    %broadcast_in_dim3A_114 = vector.broadcast %convert_element_type3A_106 : f32 to vector<1x1x128xf32>
    %broadcast_in_dim3A_115 = vector.broadcast %jit3A_113 : f32 to vector<1x1x128xf32>
    %select_n3A_116 = arith.select %eq3A_112, %broadcast_in_dim3A_114, %broadcast_in_dim3A_115 : vector<1x1x128xi1>, vector<1x1x128xf32>
    %broadcast_in_dim3A_117 = vector.broadcast %reduce_sum3A_102 : f32 to vector<1x1x128xf32>
    %select_n3A_118 = arith.select %eq3A_109, %broadcast_in_dim3A_117, %select_n3A_116 : vector<1x1x128xi1>, vector<1x1x128xf32>
    %swap3A = arith.constant 0 : index
    %swap3A_119 = arith.constant 0 : index
    %swap3A_120 = arith.constant 0 : index
    %swap3A_121 = vector.load %arg2[%swap3A, %swap3A_119, %swap3A_120] : memref<1x1x128xf32, #tpu.memory_space<vmem>>, vector<1x1x128xf32>
    tpu.vector_store %arg2[%swap3A, %swap3A_119, %swap3A_120], %select_n3A_118 {strides = array<i32>} : memref<1x1x128xf32, #tpu.memory_space<vmem>>, vector<1x1x128xf32>,
    return
  }
  func.func @transform_0(%arg0: i32) -> (i32, i32, i32) {
    %c0_i32 = arith.constant 0 : i32
    %c0_i32_0 = arith.constant 0 : i32
    %c0_i32_1 = arith.constant 0 : i32
    return %arg0, %c0_i32, %c0_i32_0 : i32, i32, i32
  }
  func.func @transform_1(%arg0: i32) -> (i32, i32, i32) {
    %c0_i32 = arith.constant 0 : i32
    %c0_i32_0 = arith.constant 0 : i32
    %c0_i32_1 = arith.constant 0 : i32
    return %arg0, %c0_i32, %c0_i32_0 : i32, i32, i32
  }
}

</mosaic_0001>

<sc_bundles>
// kernel: kernel.4.cloned.1.call-start
scs
__scs_entry_jumppad:
0x0: {  	(pc) =	sbr.rel $0x88, $3  }
0x1: {  	(tag) =	ssettag $0x0;
	lr =	simm.s32 $0x1  }
0x2: {  	[smem:$0x3F9F] =	sst lr;
	_ =	strace $0xD0000000  }
0x3: {  	_ = 	snop  }
0x4: {  	_ = 	snop  }
0x5: {  	_ = 	snop  }
0x6: {  	_ = 	snop  }
0x7: {  	_ = 	snop  }
__scs_overlays_trampoline_lowered:
0x8: {  	[smem:$0x3FAE] =	sst s0  }
0x9: {  	[smem:$0x3FAF] =	sst s1  }
0xa: {  	[smem:$0x3FB0] =	sst s2  }
0xb: {  	[smem:$0x3FB1] =	sst s3  }
0xc: {  	[smem:$0x3FB2] =	sst s4  }
0xd: {  	[smem:$0x3FB3] =	sst s5  }
0xe: {  	[smem:$0x3FB4] =	sst s6  }
0xf: {  	[smem:$0x3FB5] =	sst s7  }
0x10: {  	[smem:$0x3FB6] =	sst s8  }
0x11: {  	[smem:$0x3FB7] =	sst s9;
	s0 =	simm.s32 @!p0 $0x0  }
0x12: {  	s1 =	sld [smem:$0x3F9D];
	s0 =	simm.s32 @p0 $0x1  }
0x13: {  	[smem:$0x3FB8] =	sst s0;
	s0 =	simm.s32 @!p1 $0x0  }
0x14: {  	s2 =	sld [smem:$0x3F9C];
	s0 =	simm.s32 @p1 $0x1  }
0x15: {  	[smem:$0x3FB9] =	sst s0;
	s0 =	simm.s32 @!p2 $0x0  }
0x16: {  	s3 =	sld [smem:$0x3FDB];
	s0 =	simm.s32 @p2 $0x1  }
0x17: {  	s4 =	simm.s32 $0x1BF5;
	[smem:$0x3FBB] =	sst s0  }
0x18: {  	s0 =	sld [smem:$0x3F9E];
	_ =	swait.ge [sflag:s4], $0x0  }
0x19: {  	s7 =	sld [smem:$0x3F9F]  }
0x1a: {  	s8 =	sadd.s32 $0xFFFFE003, lr  }
0x1b: {  	s9 =	sadd.s32 $0xFFFFFEF7, lr;
	s5 =	simm.s32 $0xFFFFFFFF;
	p2 =	slt.u32 s8, $0xFFFFF086  }
0x1c: {  	p1 =	slt.u32 s9, $0xF7A;
	s5 =	simm.s32 @!p2 $0x0  }
0x1d: {  	s5 =	simm.s32 @p1 $0x1;
	p0 =	seq.s32 s7, s2  }
0x1e: {  	s7 =	smul.u32 @!p0 $0xF7A, s2;
	p2 =	seq.s32 @!p0 s5, $0x0  }
0x1f: {  	s9 =	smul.u32 $0xF7A, s1;
	s8 =	simm.s32 @!p0 $0x1BF5;
	p2 =	por !p2, p0  }
0x20: {  	[sflag:s8] =	ssyncset.s32 @!p0 $0xFFFFF086;
	s6 =	sadd.s32 @!p0 s3, s7;
	s7 =	simm.s32 @!p0 $0x108  }
0x21: {  	s3 =	sadd.s32 s3, s9;
	s6 =	sadd.s32 @!p0 $0x88, s6;
	s7 =	simm.s32 @p2 $0x1082  }
0x22: {  	[simem:s7], [sflag:s8] =	dma.local @!p0 [hbm:s6], $0xF7A  }
0x23: {  	s9 =	sor.u32 $0xD0000000, s2;
	s6 =	simm.s32 $0x108;
	_ =	swait.ge @!p0 [sflag:s8], $0x0  }
0x24: {  	s3 =	sadd.s32 $0x88, s3;
	s6 =	simm.s32 @!p1 $0x1082;
	[sflag:s4] =	ssyncset.s32 $0xFFFFF086  }
0x25: {  	[simem:s6], [sflag:s4] =	dma.local [hbm:s3], $0xF7A  }
0x26: {  	[smem:$0x3F9F] =	sst s1;
	(tag) =	ssettag s2;
	_ =	strace s9  }
0x27: {  	s1 =	sld [smem:$0x3FAF]  }
0x28: {  	s2 =	sld [smem:$0x3FB0]  }
0x29: {  	s4 =	sld [smem:$0x3FB2]  }
0x2a: {  	p0 =	seq.s32 s5, $0x0;
	s5 =	sld [smem:$0x3FB3]  }
0x2b: {  	s6 =	sld [smem:$0x3FB4]  }
0x2c: {  	s7 =	sld [smem:$0x3FB5]  }
0x2d: {  	s3 =	simm.s32 $0x108;
	s8 =	sld [smem:$0x3FB6]  }
0x2e: {  	s3 =	simm.s32 @!p0 $0x1082;
	s9 =	sld [smem:$0x3FB7]  }
0x2f: {  	lr =	sadd.s32 s0, s3;
	s0 =	sld [smem:$0x3FAE]  }
0x30: {  	s3 =	sld [smem:$0x3FB1]  }
0x31: {  	[smem:$0x3FBA] =	sst s10  }
0x32: {  	s10 =	sld [smem:$0x3FB8];
	_ =	sdelay $0x3  }
0x33: {  	p0 =	seq.s32 s10, $0x1;
	s10 =	sld [smem:$0x3FBA];
	_ =	sdelay $0x3  }
0x34: {  	[smem:$0x3FBA] =	sst s10  }
0x35: {  	s10 =	sld [smem:$0x3FB9];
	_ =	sdelay $0x3  }
0x36: {  	p1 =	seq.s32 s10, $0x1;
	s10 =	sld [smem:$0x3FBA];
	_ =	sdelay $0x3  }
0x37: {  	[smem:$0x3FBA] =	sst s10  }
0x38: {  	s10 =	sld [smem:$0x3FBB]  }
0x39: {  	_ = 	snop;
	(pc) =	sbr.ind lr, $3  }
0x3a: {  	_ = 	snop  }
0x3b: {  	_ = 	snop  }
0x3c: {  	p2 =	seq.s32 s10, $0x1;
	s10 =	sld [smem:$0x3FBA]  }
0x3d: {  	_ =	shalt  }
0x3e: {  	_ =	shalt  }
0x3f: {  	_ =	shalt  }
0x40: {  	_ =	shalt  }
0x41: {  	_ =	shalt  }
0x42: {  	_ =	shalt  }
0x43: {  	_ =	shalt  }
0x44: {  	_ =	shalt  }
0x45: {  	_ =	shalt  }
0x46: {  	_ =	shalt  }
0x47: {  	_ =	shalt  }
0x48: {  	_ =	shalt  }
0x49: {  	_ =	shalt  }
0x4a: {  	_ =	shalt  }
0x4b: {  	_ =	shalt  }
0x4c: {  	_ =	shalt  }
0x4d: {  	_ =	shalt  }
0x4e: {  	_ =	shalt  }
0x4f: {  	_ =	shalt  }
0x50: {  	_ =	shalt  }
0x51: {  	_ =	shalt  }
0x52: {  	_ =	shalt  }
0x53: {  	_ =	shalt  }
0x54: {  	_ =	shalt  }
0x55: {  	_ =	shalt  }
0x56: {  	_ =	shalt  }
0x57: {  	_ =	shalt  }
0x58: {  	_ =	shalt  }
0x59: {  	_ =	shalt  }
0x5a: {  	_ =	shalt  }
0x5b: {  	_ =	shalt  }
0x5c: {  	_ =	shalt  }
0x5d: {  	_ =	shalt  }
0x5e: {  	_ =	shalt  }
0x5f: {  	_ =	shalt  }
0x60: {  	_ =	shalt  }
0x61: {  	_ =	shalt  }
0x62: {  	_ =	shalt  }
0x63: {  	_ =	shalt  }
0x64: {  	_ =	shalt  }
0x65: {  	_ =	shalt  }
0x66: {  	_ =	shalt  }
0x67: {  	_ =	shalt  }
0x68: {  	_ =	shalt  }
0x69: {  	_ =	shalt  }
0x6a: {  	_ =	shalt  }
0x6b: {  	_ =	shalt  }
0x6c: {  	_ =	shalt  }
0x6d: {  	_ =	shalt  }
0x6e: {  	_ =	shalt  }
0x6f: {  	_ =	shalt  }
0x70: {  	_ =	shalt  }
0x71: {  	_ =	shalt  }
0x72: {  	_ =	shalt  }
0x73: {  	_ =	shalt  }
0x74: {  	_ =	shalt  }
0x75: {  	_ =	shalt  }
0x76: {  	_ =	shalt  }
0x77: {  	_ =	shalt  }
0x78: {  	_ =	shalt  }
0x79: {  	_ =	shalt  }
0x7a: {  	_ =	shalt  }
0x7b: {  	_ =	shalt  }
0x7c: {  	_ =	shalt  }
0x7d: {  	_ =	shalt  }
0x7e: {  	_ =	shalt  }
0x7f: {  	_ =	shalt  }
0x80: {  	_ =	shalt  }
0x81: {  	_ =	shalt  }
0x82: {  	_ =	shalt  }
0x83: {  	_ =	shalt  }
0x84: {  	_ =	shalt  }
0x85: {  	_ =	shalt  }
0x86: {  	_ =	shalt  }
0x87: {  	_ =	shalt  }
.Lfunc_end0:
.L_simem_size_0:
called_computation.1_lowered:
.L_overlay_start_0:
0x88: {  	s2 =	sld [smem:$0x3FD9]  }
0x89: {  	s3 =	sld [smem:$0x3FFE];
	_ =	sdelay $0x1  }
0x8a: {  	s1 =	srdreg.scid  }
0x8b: {  	s0 =	sand.u32 $0x1, s1  }
0x8c: {  	s16 =	sshll.u32 s0, $0xA;
	s2 =	sadd.s32 s3, s2  }
0x8d: {  	s2 =	sadd.s32 s2, s16  }
0x8e: {  	[smem:$0x3FC6] =	sst s2  }
0x8f: {  	_ = 	snop  }
0x90: {  	(tm) =	ssettm $0x1  }
0x91: {  	s17 =	sld [smem:$0x3FFB];
	_ =	sdelay $0x3  }
0x92: {  	_ =	strace s17  }
0x93: {  	s2 =	sld [smem:$0x3FFC];
	_ =	sdelay $0x3  }
0x94: {  	_ =	strace s2  }
0x95: {  	s2 =	sld [smem:$0x3FFD];
	_ =	sdelay $0x3  }
0x96: {  	_ =	strace s2  }
0x97: {  	_ =	strace $0x8FFFFFFF  }
0x98: {  	s18 =	sld [smem:$0x3FDB];
	_ =	sdelay $0x1  }
0x99: {  	s19 =	simm.s32 $_scs_section_size  }
0x9a: {  	s4 =	simm.s32 $_size__tile_overlayer_lowered;
	s5 =	simm.s32 $_tile_overlayer_lowered  }
0x9b: {  	s22 =	simm.s32 $0x1BFF;
	s21 =	sshll.u32 s5, $0x1;
	s2 =	sadd.s32 s19, s18  }
0x9c: {  	s6 =	simm.s32 $0x0;
	s20 =	sshll.u32 s4, $0x1;
	s4 =	sadd.s32 s21, s2  }
0x9d: {  	[timem:s6], [sflag:s22] =	dma.local [hbm:s4], s20  }
0x9e: {  	_ =	swait.ge [sflag:s22], s20  }
0x9f: {  	s3 =	ssub.s32 $0x0, s20;
	[sflag:s22] =	ssyncset.done $0x0  }
0xa0: {  	[sflag:s22] =	ssyncadd.s32 s3;
	_ =	sdelay $0x1  }
0xa1: {  	s23 =	simm.s32 $0x1B8B  }
0xa2: {  	_ =	swait.ge [sflag:s23], $0x1  }
0xa3: {  	[sflag:s23] =	ssyncset.done $0x0  }
0xa4: {  	s25 =	simm.s32 $0x1B8E;
	s24 =	sld [smem:$0x3FFE];
	[sflag:s23] =	ssyncadd.s32 $0xFFFFFFFF  }
0xa5: {  	s26 =	simm.s32 $execute0_lowered;
	[smem:$0x3FD2] =	sst s25  }
0xa6: {  	s4 =	sshll.u32 s26, $0x1;
	_ =	strace $0x80000049;
	[dreg:$0x1] =	wrdreg $0xFFFFFFFF  }
0xa7: {  	s28 =	simm.s32 $_size_execute0_lowered;
	s2 =	sadd.s32 s2, s4;
	[dreg:$0x0] =	wrdreg $0x0  }
0xa8: {  	s4 =	sshll.u32 s28, $0x1;
	[dreg:$0x2] =	wrdreg s2  }
0xa9: {  	[dreg:$0x3] =	wrdreg s4  }
0xaa: {  	[dreg:$0x4] =	wrdreg $0xC0  }
0xab: {  	_ =	task [dreg:s6], $0x5FFFF  }
0xac: {  	[dreg:$0x1] =	wrdreg $0xFFFFFFFF  }
0xad: {  	[dreg:$0x0] =	wrdreg $0x60  }
0xae: {  	[dreg:$0x2] =	wrdreg s24  }
0xaf: {  	[dreg:$0x3] =	wrdreg $0x9  }
0xb0: {  	_ =	task.clear_ibuf [dreg:s6], $0x4FFFF;
	_ =	strace $0x90000049  }
0xb1: {  	s29 =	simm.s32 $0x9;
	_ =	strace $0x8000004B  }
0xb2: {  	_ =	swait.ge [sflag:s29], $0x1  }
0xb3: {  	[sflag:s29] =	ssyncadd.s32 $0xFFFFFFFF  }
0xb4: {  	_ =	strace $0x9000004B  }
0xb5: {  	_ =	sfence  }
0xb6: {  	s30 =	sld [smem:$0x0];
	_ =	sdelay $0x2  }
0xb7: {  	s31 =	sshll.u32 s1, $0xD;
	s1 =	sshrl.u32 s1, $0x2  }
0xb8: {  	s3 =	sand.u32 $0x4000, s31;
	s1 =	sadd.s32 s1, s30  }
0xb9: {  	s0 =	sor.u32 s3, s0;
	s1 =	sshll.u32 s1, $0x11  }
0xba: {  	s0 =	sor.u32 s1, s0  }
0xbb: {  	s0 =	sadd.s32 $0x8F2B, s0  }
0xbc: {  	[sflag:s0] =	ssyncadd.remote.s32 $0x1  }
0xbd: {  	_ =	sfence.sel $0xFFFF  }
0xbe: {  	[dreg:$0x0] =	wrdreg $0xFFFFFFFF;
	(pc) =	sbr.abs _section_cstart, $3  }
0xbf: {  	[dreg:$0x1] =	wrdreg $0xFFFFFFFF  }
0xc0: {  	_ =	task.clear_ibuf [dreg:s6], $0x2FFFF;
	_ =	strace $0x9FFFFFFF  }
0xc1: {  	(tm) =	ssettm $0x7FFFFFFF  }
tec
execute0_lowered:
.L_overlay_start_1:
0x0: {  	(tag) =	ssettag $0x1  }
0x1: {  	s0 =	srdreg.scid  }
0x2: {  	s7 =	rddreg [dreg:$0x0];
	s3 =	simm.s32 $0x0;
	s5 =	sand.u32 $0x1, s0  }
0x3: {  	s4 =	simm.s32 $0x1;
	s0 =	stileid.u32;
	s1 =	sshll.u32 s5, $0x4  }
0x4: {  	s13 =	simm.s32 $0x6080;
	s6 =	sand.u32 $0x7, s0;
	s2 =	sor.u32 s0, s1  }
0x5: {  	s14 =	simm.s32 $0x2;
	p1 =	sne.s32 s6, $0x0;
	p0 =	seq.s32 s2, $0x0  }
0x6: {  	s15 =	simm.s32 $0x1E080;
	s16 =	simm.s32 $0x0;
	p0 =	por !p1, !p0  }
0x7: {  	[smem:$0x7FF] =	sst s3;
	s29 =	ssub.s32 $0x2, s5;
	p0 =	por !p0, !p0  }
0x8: {  	s1 =	rddreg [dreg:$0x1];
	s8 =	sshrl.u32 s2, $0x3;
	s4 =	simm.s32 @!p0 $0x0  }
0x9: {  	_ =	strace $0x8000004A;
	s5 =	sshll.u32 s6, $0xF;
	s10 =	ssub.s32 s8, s4  }
0xa: {  	s30 =	sshrl.u32 s29, $0x1;
	s28 =	sshll.u32 s2, $0xC;
	s9 =	smul.u32 $0x540000, s10  }
0xb: {  	v0 =	vlaneseq.u32;
	s6 =	sadd.s32 $0x2C0200, s7;
	s12 =	ssub.s32 s29, s30;
	s11 =	sadd.s32 s28, s7  }
0xc: {  	v2 =	vmul.u32 $0x601, v0;
	s4 =	sadd.s32 $0x200, s7;
	s7 =	simm.s32 $0x1;
	s9 =	sor.u32 s5, s9  }
0xd: {  	s10 =	smul.u32 $0x15, s10;
	s31 =	sshrl.u32 s9, $0x3;
	s9 =	sadd.s32 $0x2A0200, s11  }
0xe: {  	v0 =	vimm.s32 $0x0;
	v1 =	vadd.s32 $0xFFFFF500, v2;
	v2 =	vadd.s32 $0xFFFFF200, v2;
	s11 =	smax.u32 s12, $0x1;
	s12 =	simm.s32 $0xE080;
	s8 =	sadd.s32 s4, s31  }
.LBB2_1:
0xf: {  	[tilespmem:s12], [sflag:$0x1] =	stream.linear.gather [hbm4b:s8+s3], $0x8000, $0x38;
	[tilespmem:$0x1EC80] =	vst v63  }
0x10: {  	_ = 	snop  }
0x11: {  	[tilespmem:s13], [sflag:$0x2] =	stream.linear.gather [hbm4b:s9+s3], $0x8000, $0x38;
	[tilespmem:$0x1EC80] =	vst v63  }
0x12: {  	_ =	swait.ge [sflag:s14], $0x8000  }
0x13: {  	[sflag:s14] =	ssyncset.done $0x0  }
0x14: {  	s17 =	simm.s32 $0x0;
	[sflag:s14] =	ssyncadd.s32 $0xFFFF8000  }
.LBB2_2:
0x15: {  	p0 =	sne.s32 s17, $0x18000  }
.Ltmp0:
0x16: {  	_ = 	snop;
	(pc) =	sbr.rel @p0 .LBB2_2-.Ltmp0, $3  }
0x17: {  	_ =	sdelay $0x1  }
0x18: {  	s18 =	sshra.s32 s17, $0x2  }
0x19: {  	s17 =	sadd.s32 $0x40, s17;
	[tilespmem:s18+$0x0] =	vst v0  }
0x1a: {  	s18 =	simm.s32 $0x0;
	p0 =	por $0x0, $0x0  }
.LBB2_4:
0x1b: {  	s19 =	simm.s32 $0x1  }
0x1c: {  	s19 =	simm.s32 @!p0 $0x0  }
0x1d: {  	s17 =	sadd.s32 $0x1, s18;
	p1 =	seq.s32 s18, $0x14;
	s19 =	sshll.u32 s19, $0xF  }
0x1e: {  	s20 =	sadd.s32 @!p1 s10, s17;
	s19 =	sadd.s32 $0xE0F0, s19  }
0x1f: {  	_ =	swait.ge [sflag:s7], $0x8000;
	s31 =	simm.s32 $0x0;
	s20 =	sshll.u32 @!p1 s20, $0x12;
	v3 =	vmov s19  }
0x20: {  	[sflag:s7] =	ssyncset.done $0x0;
	s21 =	sshll.u32 @!p1 s17, $0xF;
	s20 =	sor.u32 @!p1 s5, s20  }
0x21: {  	[sflag:s7] =	ssyncadd.s32 $0xFFFF8000;
	s19 =	sand.u32 @!p1 $0x8000, s21;
	s20 =	sshrl.u32 @!p1 s20, $0x3  }
0x22: {  	s21 =	simm.s32 @!p1 $0x0;
	s19 =	sadd.s32 @!p1 $0xE080, s19;
	s20 =	sadd.s32 @!p1 s4, s20  }
0x23: {  	[tilespmem:s19], [sflag:$0x1] =	stream.linear.gather @!p1 [hbm4b:s20+s21], $0x8000, $0x38;
	[tilespmem:$0x1EC80] =	vst v63  }
0x24: {  	v4 =	vld.idx.msk [tilespmem:v3+s31+$0xFFFFFFB0 ss:$0x1], $0xffff  }
0x25: {  	v5 =	vld.idx.msk [tilespmem:v3+s31+$0xFFFFFFA0 ss:$0x1], $0xffff  }
0x26: {  	v6 =	vld.idx.msk [tilespmem:v3+s31+$0xFFFFFF90 ss:$0x1], $0xffff  }
0x27: {  	v7 =	vld.idx.msk [tilespmem:v3+s31+$0xFFFFFFC0 ss:$0x1], $0xffff  }
0x28: {  	v8 =	vld.idx.msk [tilespmem:v3+s31+$0xFFFFFFE0 ss:$0x1], $0xffff  }
0x29: {  	v9 =	vld.idx.msk [tilespmem:v3+s31+$0xFFFFFFD0 ss:$0x1], $0xffff;
	v4 =	vmul.f32 $1.442695020e+00, v4;
	_ =	sdelay $0x1  }
0x2a: {  	v5 =	vmul.f32 $1.442695020e+00, v5;
	(erf) = vpow2.f32 v4  }
0x2b: {  	v11 =	vld [tilespmem:s31+$0x6080];
	v6 =	vmul.f32 $1.442695020e+00, v6;
	v4 =	vmul.f32 $1.442695020e+00, v7  }
0x2c: {  	v10 =	vld.idx.msk [tilespmem:v3+s31+$0xFFFFFFF0 ss:$0x1], $0xffff;
	v7 =	vmul.f32 $1.442695020e+00, v8;
	(erf) = vpow2.f32 v5  }
0x2d: {  	v8 =	vmul.f32 $1.442695020e+00, v9;
	v9 =	vld [tilespmem:s31+$0x60A0];
	(erf) = vpow2.f32 v6  }
0x2e: {  	v6 =	vld [tilespmem:s31+$0x60C0];
	(erf) = vpow2.f32 v4  }
0x2f: {  	v5 =	vld [tilespmem:s31+$0x6090];
	(erf) = vpow2.f32 v7  }
0x30: {  	v7 =	vld [tilespmem:s31+$0x60B0];
	(erf) = vpow2.f32 v8  }
0x31: {  	v4 =	vmov s18;
	v8 =	vld.idx.msk [tilespmem:v3+s31+$0x0 ss:$0x1], $0xffff  }
0x32: {  	v12 =	vmul.f32 $1.442695020e+00, v10;
	vm0 =	veq.s32 v11, v4  }
0x33: {  	v13 =	vsel vm0, v2, v1;
	vm3 =	veq.s32 v9, v4;
	vm1 =	veq.s32 v6, v4;
	v6 =	vpop (erf)  }
0x34: {  	vm2 =	veq.s32 v5, v4;
	(erf) = vpow2.f32 v12;
	v12 =	vsub.f32 $1.000000000e+00, v6  }
0x35: {  	v9 =	vld [tilespmem:s31+$0x60D0];
	v5 =	vsel vm3, v2, v1;
	v11 =	vsel vm2, v2, v1;
	v10 =	vsel vm1, v2, v1;
	v14 =	vpop (erf)  }
0x36: {  	vm4 =	veq.s32 v7, v4;
	v8 =	vmul.f32 $1.442695020e+00, v8;
	v15 =	vsub.f32 $1.000000000e+00, v14;
	v16 =	vpop (erf)  }
0x37: {  	v7 =	vsel vm4, v2, v1;
	v17 =	vsub.f32 $1.000000000e+00, v16;
	v6 =	vsel vm3, v12, v6;
	v18 =	vpop (erf)  }
0x38: {  	(erf) = vpow2.f32 v8;
	v15 =	vsel vm2, v15, v14;
	v6 =	vand.u32 $0x7FFFFFFF, v6;
	v12 =	vpop (erf)  }
0x39: {  	v19 =	vsub.f32 $1.000000000e+00, v18;
	v16 =	vsel vm0, v17, v16;
	v14 =	vshrl.u32 v6, $0x12;
	v20 =	vpop (erf)  }
0x3a: {  	vm0 =	veq.s32 v9, v4;
	v17 =	vand.u32 $0x7FFFFFFF, v15;
	v9 =	vsub.f32 $1.000000000e+00, v20  }
0x3b: {  	v16 =	vand.u32 $0x7FFFFFFF, v16;
	v8 =	vsel vm0, v2, v1;
	v18 =	vsel vm4, v19, v18  }
0x3c: {  	v15 =	vshrl.u32 v16, $0x12;
	v18 =	vand.u32 $0x7FFFFFFF, v18;
	v9 =	vsel vm1, v9, v20  }
0x3d: {  	v21 =	vld [tilespmem:s31+$0x60E0];
	v24 =	vshrl.u32 v16, $0xA;
	v15 =	vmax.u32 v15, $0xE00;
	v9 =	vand.u32 $0x7FFFFFFF, v9  }
0x3e: {  	v23 =	vshrl.u32 v18, $0x12;
	v15 =	vmin.u32 v15, $0x10FF;
	v19 =	vshrl.u32 v9, $0x12  }
0x3f: {  	v20 =	vshrl.u32 v17, $0x12;
	v13 =	vadd.s32 v15, v13;
	v15 =	vmax.u32 v19, $0xE00  }
0x40: {  	s20 =	simm.s32 $0x200;
	v16 =	vpop (erf);
	v20 =	vmax.u32 v20, $0xE00;
	v19 =	vld [tilespmem:s31+$0x60F0];
	v22 =	vmin.u32 v15, $0x10FF;
	v15 =	vand.u32 $0xFF, v24  }
.LBB2_5:
0x41: {  	p1 =	sne.s32 s20, $0x1FE00;
	v24 =	vsub.f32 $1.000000000e+00, v16;
	v23 =	vmax.u32 v23, $0xE00;
	v17 =	vshrl.u32 v17, $0xA;
	s21 =	smov.u32 s20;
	s20 =	sadd.s32 $0x200, s20  }
0x42: {  	v20 =	vmin.u32 v20, $0x10FF;
	v10 =	vadd.s32 v22, v10;
	vm1 =	veq.s32 v21, v4;
	v21 =	vpop (erf)  }
0x43: {  	v11 =	vadd.s32 v20, v11;
	v22 =	vsub.f32 $1.000000000e+00, v21;
	v20 =	vsel vm1, v2, v1  }
0x44: {  	v25 =	vsub.f32 $1.000000000e+00, v12;
	v18 =	vshrl.u32 v18, $0xA;
	v16 =	vsel vm1, v24, v16  }
0x45: {  	v17 =	vand.u32 $0xFF, v17;
	vm1 =	veq.s32 v19, v4;
	v16 =	vand.u32 $0x7FFFFFFF, v16  }
0x46: {  	v14 =	vmax.u32 v14, $0xE00;
	v19 =	vsel vm1, v22, v21;
	v21 =	vshrl.u32 v16, $0x12  }
0x47: {  	v17 =	vor.u32 $0x80000, v17;
	v19 =	vand.u32 $0x7FFFFFFF, v19  }
0x48: {  	v22 =	vshrl.u32 v19, $0x12;
	v19 =	vshrl.u32 v19, $0xA  }
0x49: {  	v12 =	vsel vm0, v25, v12;
	v21 =	vmax.u32 v21, $0xE00;
	v22 =	vmax.u32 v22, $0xE00  }
0x4a: {  	v15 =	vor.u32 $0x80000, v15;
	s19 =	simm.s32 $0x0;
	v23 =	vmin.u32 v23, $0x10FF;
	v22 =	vmin.u32 v22, $0x10FF  }
0x4b: {  	v7 =	vadd.s32 v23, v7;
	v12 =	vand.u32 $0x7FFFFFFF, v12;
	v21 =	vmin.u32 v21, $0x10FF;
	[tilespmem:v13+s19+$0x0] =	vst.idx.add.s32.msk $0xffff, v15  }
0x4c: {  	v13 =	vmin.u32 v14, $0x10FF;
	v14 =	vshrl.u32 v12, $0x12;
	v15 =	vadd.s32 v21, v20;
	[tilespmem:v11+s19+$0x0] =	vst.idx.add.s32.msk $0xffff, v17  }
0x4d: {  	v12 =	vshrl.u32 v12, $0xA;
	v11 =	vmax.u32 v14, $0xE00;
	v5 =	vadd.s32 v13, v5  }
0x4e: {  	v13 =	vshrl.u32 v16, $0xA;
	v14 =	vsel vm1, v2, v1;
	v11 =	vmin.u32 v11, $0x10FF  }
0x4f: {  	v6 =	vshrl.u32 v6, $0xA;
	v9 =	vshrl.u32 v9, $0xA;
	v16 =	vand.u32 $0xFF, v18  }
0x50: {  	v6 =	vand.u32 $0xFF, v6;
	v9 =	vand.u32 $0xFF, v9;
	v8 =	vadd.s32 v11, v8  }
0x51: {  	s21 =	sshra.s32 s21, $0x2;
	v6 =	vor.u32 $0x80000, v6;
	v11 =	vand.u32 $0xFF, v12;
	v12 =	vand.u32 $0xFF, v13  }
0x52: {  	v14 =	vadd.s32 v22, v14;
	v13 =	vor.u32 $0x80000, v16;
	v16 =	vand.u32 $0xFF, v19;
	[tilespmem:v5+s19+$0x0] =	vst.idx.add.s32.msk $0xffff, v6  }
0x53: {  	v5 =	vor.u32 $0x80000, v9;
	[tilespmem:v7+s19+$0x0] =	vst.idx.add.s32.msk $0xffff, v13  }
0x54: {  	v6 =	vor.u32 $0x80000, v11;
	[tilespmem:v10+s19+$0x0] =	vst.idx.add.s32.msk $0xffff, v5  }
0x55: {  	v5 =	vor.u32 $0x80000, v12;
	[tilespmem:v8+s19+$0x0] =	vst.idx.add.s32.msk $0xffff, v6  }
0x56: {  	v6 =	vor.u32 $0x80000, v16;
	[tilespmem:v15+s19+$0x0] =	vst.idx.add.s32.msk $0xffff, v5  }
0x57: {  	[tilespmem:v14+s19+$0x0] =	vst.idx.add.s32.msk $0xffff, v6;
	_ =	sdelay $0x1  }
0x58: {  	v5 =	vld.idx.msk [tilespmem:v3+s21+$0xFFFFFFB0 ss:$0x1], $0xffff  }
0x59: {  	v6 =	vld.idx.msk [tilespmem:v3+s21+$0xFFFFFFA0 ss:$0x1], $0xffff  }
0x5a: {  	v7 =	vld.idx.msk [tilespmem:v3+s21+$0xFFFFFF90 ss:$0x1], $0xffff  }
0x5b: {  	v8 =	vld.idx.msk [tilespmem:v3+s21+$0xFFFFFFC0 ss:$0x1], $0xffff  }
0x5c: {  	v9 =	vld.idx.msk [tilespmem:v3+s21+$0xFFFFFFE0 ss:$0x1], $0xffff  }
0x5d: {  	v10 =	vld.idx.msk [tilespmem:v3+s21+$0xFFFFFFD0 ss:$0x1], $0xffff  }
0x5e: {  	v5 =	vmul.f32 $1.442695020e+00, v5;
	v11 =	vld.idx.msk [tilespmem:v3+s21+$0xFFFFFFF0 ss:$0x1], $0xffff  }
0x5f: {  	v6 =	vmul.f32 $1.442695020e+00, v6;
	v12 =	vld [tilespmem:s21+$0x6080]  }
0x60: {  	v7 =	vmul.f32 $1.442695020e+00, v7;
	v13 =	vld [tilespmem:s21+$0x6090];
	(erf) = vpow2.f32 v5  }
0x61: {  	v8 =	vmul.f32 $1.442695020e+00, v8;
	v5 =	vld [tilespmem:s21+$0x60C0];
	(erf) = vpow2.f32 v6  }
0x62: {  	v9 =	vmul.f32 $1.442695020e+00, v9;
	v6 =	vld [tilespmem:s21+$0x60A0];
	(erf) = vpow2.f32 v7  }
0x63: {  	v7 =	vmul.f32 $1.442695020e+00, v10;
	v14 =	vld.idx.msk [tilespmem:v3+s21+$0x0 ss:$0x1], $0xffff;
	(erf) = vpow2.f32 v8  }
0x64: {  	v11 =	vmul.f32 $1.442695020e+00, v11;
	v8 =	vld [tilespmem:s21+$0x60B0];
	(erf) = vpow2.f32 v9  }
0x65: {  	vm0 =	veq.s32 v12, v4;
	vm3 =	veq.s32 v13, v4;
	(erf) = vpow2.f32 v7  }
0x66: {  	v13 =	vsel vm0, v2, v1;
	vm1 =	veq.s32 v5, v4  }
0x67: {  	vm4 =	veq.s32 v6, v4;
	v10 =	vsel vm1, v2, v1;
	(erf) = vpow2.f32 v11  }
0x68: {  	v11 =	vsel vm3, v2, v1;
	v5 =	vsel vm4, v2, v1  }
0x69: {  	vm2 =	veq.s32 v8, v4;
	v6 =	vpop (erf)  }
0x6a: {  	v8 =	vld [tilespmem:s21+$0x60D0];
	v9 =	vsub.f32 $1.000000000e+00, v6;
	v7 =	vsel vm2, v2, v1;
	v12 =	vpop (erf)  }
0x6b: {  	v15 =	vmul.f32 $1.442695020e+00, v14;
	v14 =	vsub.f32 $1.000000000e+00, v12;
	v16 =	vpop (erf)  }
0x6c: {  	v17 =	vsub.f32 $1.000000000e+00, v16;
	v6 =	vsel vm4, v9, v6;
	v18 =	vpop (erf)  }
0x6d: {  	v9 =	vsel vm3, v14, v12;
	v6 =	vand.u32 $0x7FFFFFFF, v6;
	v19 =	vsub.f32 $1.000000000e+00, v18;
	v12 =	vpop (erf)  }
0x6e: {  	v22 =	vsel vm0, v17, v16;
	v14 =	vshrl.u32 v6, $0x12;
	v20 =	vpop (erf);
	(erf) = vpow2.f32 v15  }
0x6f: {  	vm0 =	veq.s32 v8, v4;
	v15 =	vand.u32 $0x7FFFFFFF, v22;
	v21 =	vsub.f32 $1.000000000e+00, v20  }
0x70: {  	v17 =	vand.u32 $0x7FFFFFFF, v9;
	v9 =	vshrl.u32 v15, $0x12;
	v8 =	vsel vm0, v2, v1;
	v16 =	vpop (erf)  }
.Ltmp1:
0x71: {  	v23 =	vshrl.u32 v17, $0x12;
	v20 =	vsel vm1, v21, v20;
	v22 =	vmax.u32 v9, $0xE00;
	(pc) =	sbr.rel @p1 .LBB2_5-.Ltmp1, $4  }
0x72: {  	v21 =	vld [tilespmem:s21+$0x60E0];
	v9 =	vand.u32 $0x7FFFFFFF, v20;
	v22 =	vmin.u32 v22, $0x10FF;
	v20 =	vmax.u32 v23, $0xE00  }
0x73: {  	v18 =	vsel vm2, v19, v18;
	v23 =	vshrl.u32 v9, $0x12;
	v13 =	vadd.s32 v22, v13  }
0x74: {  	v18 =	vand.u32 $0x7FFFFFFF, v18;
	v15 =	vshrl.u32 v15, $0xA;
	v19 =	vld [tilespmem:s21+$0x60F0];
	v22 =	vmax.u32 v23, $0xE00  }
0x75: {  	v15 =	vand.u32 $0xFF, v15;
	v23 =	vshrl.u32 v18, $0x12;
	v22 =	vmin.u32 v22, $0x10FF  }
0x76: {  	v3 =	vsub.f32 $1.000000000e+00, v16;
	v23 =	vmax.u32 v23, $0xE00  }
0x77: {  	v17 =	vshrl.u32 v17, $0xA;
	v20 =	vmin.u32 v20, $0x10FF;
	v10 =	vadd.s32 v22, v10  }
0x78: {  	v14 =	vmax.u32 v14, $0xE00;
	v15 =	vor.u32 $0x80000, v15;
	v6 =	vshrl.u32 v6, $0xA  }
0x79: {  	v9 =	vshrl.u32 v9, $0xA;
	vm1 =	veq.s32 v21, v4;
	v11 =	vadd.s32 v20, v11  }
0x7a: {  	v57 =	vpop (erf);
	v17 =	vand.u32 $0xFF, v17;
	v61 =	vmin.u32 v23, $0x10FF;
	v14 =	vmin.u32 v14, $0x10FF  }
0x7b: {  	v6 =	vand.u32 $0xFF, v6;
	v9 =	vand.u32 $0xFF, v9;
	v58 =	vsub.f32 $1.000000000e+00, v57  }
0x7c: {  	v3 =	vsel vm1, v3, v16;
	vm15 =	veq.s32 v19, v4;
	v4 =	vsub.f32 $1.000000000e+00, v12  }
0x7d: {  	v59 =	vsel vm1, v2, v1;
	v16 =	vshrl.u32 v18, $0xA;
	v3 =	vand.u32 $0x7FFFFFFF, v3  }
0x7e: {  	v5 =	vadd.s32 v14, v5;
	v19 =	vshrl.u32 v3, $0x12;
	v4 =	vsel vm0, v4, v12  }
0x7f: {  	v7 =	vadd.s32 v61, v7;
	v19 =	vmax.u32 v19, $0xE00;
	v4 =	vand.u32 $0x7FFFFFFF, v4  }
0x80: {  	v18 =	vsel vm15, v58, v57;
	v19 =	vmin.u32 v19, $0x10FF;
	v62 =	vshrl.u32 v4, $0x12  }
0x81: {  	v18 =	vand.u32 $0x7FFFFFFF, v18;
	v14 =	vadd.s32 v19, v59;
	v19 =	vmax.u32 v62, $0xE00  }
0x82: {  	v17 =	vor.u32 $0x80000, v17;
	v60 =	vshrl.u32 v18, $0x12;
	v19 =	vmin.u32 v19, $0x10FF  }
0x83: {  	[tilespmem:v13+s19+$0x0] =	vst.idx.add.s32.msk $0xffff, v15;
	v6 =	vor.u32 $0x80000, v6;
	v12 =	vmax.u32 v60, $0xE00;
	v8 =	vadd.s32 v19, v8  }
0x84: {  	v13 =	vsel vm15, v2, v1;
	[tilespmem:v11+s19+$0x0] =	vst.idx.add.s32.msk $0xffff, v17;
	v11 =	vand.u32 $0xFF, v16;
	v12 =	vmin.u32 v12, $0x10FF  }
0x85: {  	v4 =	vshrl.u32 v4, $0xA;
	v11 =	vor.u32 $0x80000, v11;
	[tilespmem:v5+s19+$0x0] =	vst.idx.add.s32.msk $0xffff, v6;
	v12 =	vadd.s32 v12, v13  }
0x86: {  	v3 =	vshrl.u32 v3, $0xA;
	v5 =	vor.u32 $0x80000, v9;
	v4 =	vand.u32 $0xFF, v4;
	[tilespmem:v7+s19+$0x0] =	vst.idx.add.s32.msk $0xffff, v11  }
0x87: {  	v3 =	vand.u32 $0xFF, v3;
	v6 =	vshrl.u32 v18, $0xA;
	v4 =	vor.u32 $0x80000, v4;
	[tilespmem:v10+s19+$0x0] =	vst.idx.add.s32.msk $0xffff, v5  }
0x88: {  	v3 =	vor.u32 $0x80000, v3;
	v5 =	vand.u32 $0xFF, v6;
	[tilespmem:v8+s19+$0x0] =	vst.idx.add.s32.msk $0xffff, v4  }
0x89: {  	v4 =	vor.u32 $0x80000, v5;
	[tilespmem:v14+s19+$0x0] =	vst.idx.add.s32.msk $0xffff, v3  }
0x8a: {  	s22 =	simm.s32 $0x0;
	[tilespmem:v12+s19+$0x0] =	vst.idx.add.s32.msk $0xffff, v4  }
0x8b: {  	v4 =	vld [tilespmem:s22+$0x1804]  }
0x8c: {  	v5 =	vld [tilespmem:s22+$0xC02]  }
0x8d: {  	v6 =	vld [tilespmem:s22+$0x1203]  }
0x8e: {  	[tilespmem:s22+$0xC02] =	vst v0;
	v7 =	vld [tilespmem:s22+$0x601]  }
0x8f: {  	[tilespmem:s22+$0x1804] =	vst v0;
	v10 =	vld [tilespmem:s22+$0x0]  }
0x90: {  	[tilespmem:s22+$0x601] =	vst v0;
	v12 =	vld [tilespmem:s22+$0x2A07]  }
0x91: {  	[tilespmem:s22+$0x0] =	vst v0;
	v13 =	vld [tilespmem:s22+$0x1E05]  }
0x92: {  	[tilespmem:s22+$0x2A07] =	vst v0;
	v11 =	vshra.s32 v5, $0x13;
	v14 =	vshra.s32 v6, $0x13;
	v17 =	vshra.s32 v4, $0x13  }
0x93: {  	[tilespmem:s22+$0x1E05] =	vst v0;
	v18 =	vld [tilespmem:s22+$0x2406];
	v15 =	vshra.s32 v7, $0x13;
	v9 =	vand.u32 $0x7FFFF, v5;
	v5 =	vand.u32 $0x7FFFF, v4  }
0x94: {  	[tilespmem:s22+$0x2406] =	vst v0;
	v4 =	vshra.s32 v10, $0x13;
	v16 =	vand.u32 $0x7FFFF, v10;
	v10 =	vand.u32 $0x7FFFF, v6  }
0x95: {  	[tilespmem:s22+$0x1203] =	vst v0;
	v8 =	vld [tilespmem:s22+$0x420B];
	v19 =	vand.u32 $0x7FFFF, v7;
	v6 =	vshra.s32 v12, $0x13;
	v15 =	vadd.s32 v4, v15  }
0x96: {  	v3 =	vld [tilespmem:s22+$0x3609];
	[tilespmem:s22+$0x420B] =	vst v0;
	v7 =	vand.u32 $0x7FFFF, v12;
	v63 =	vadd.s32 v11, v15;
	v11 =	vand.u32 $0x7FFFF, v13  }
0x97: {  	s23 =	simm.s32 $0x80;
	[tilespmem:s22+$0x3609] =	vst v0;
	v4 =	vld [tilespmem:s22+$0x480C];
	v15 =	vadd.s32 v16, v19;
	v16 =	vshra.s32 v13, $0x13;
	v12 =	vadd.s32 v14, v63  }
0x98: {  	s24 =	simm.s32 $0x10;
	s20 =	simm.s32 $0x10;
	s21 =	simm.s32 $0x10;
	[tilespmem:s22+$0x480C] =	vst v0;
	v13 =	vand.u32 $0x7FFFF, v18;
	v14 =	vshra.s32 v18, $0x13;
	v17 =	vadd.s32 v17, v12;
	v12 =	vld [tilespmem:s22+$0x3008]  }
.LBB2_7:
0x99: {  	p1 =	sne.s32 s23, $0x17C0  }
0x9a: {  	s24 =	sadd.s32 $0x10, s24;
	v9 =	vadd.s32 v9, v15;
	v15 =	vadd.s32 v16, v17;
	v16 =	vshra.s32 v8, $0x13;
	s25 =	smov.u32 s23;
	s23 =	sadd.s32 $0x40, s23  }
0x9b: {  	v8 =	vand.u32 $0x7FFFF, v8;
	v9 =	vadd.s32 v10, v9;
	v10 =	vand.u32 $0x7FFFF, v3;
	v17 =	vld [tilespmem:s22+$0x3C0A]  }
0x9c: {  	v5 =	vadd.s32 v5, v9;
	[tilespmem:s22+$0x3C0A] =	vst v0;
	v9 =	vshra.s32 v4, $0x13;
	v4 =	vand.u32 $0x7FFFF, v4  }
0x9d: {  	v3 =	vshra.s32 v3, $0x13;
	v5 =	vadd.s32 v11, v5;
	v11 =	vadd.s32 v14, v15  }
0x9e: {  	v5 =	vadd.s32 v13, v5;
	v6 =	vadd.s32 v6, v11;
	v11 =	vshra.s32 v12, $0x13;
	v13 =	vld [tilespmem:s22+$0x4E0D]  }
0x9f: {  	v5 =	vadd.s32 v7, v5;
	v6 =	vadd.s32 v11, v6;
	v7 =	vand.u32 $0x7FFFF, v12;
	[tilespmem:s22+$0x4E0D] =	vst v0;
	v11 =	vld [tilespmem:s22+$0x540E]  }
0xa0: {  	v5 =	vadd.s32 v7, v5;
	v3 =	vadd.s32 v3, v6;
	v6 =	vshra.s32 v17, $0x13;
	[tilespmem:s22+$0x540E] =	vst v0  }
0xa1: {  	s25 =	sshra.s32 s25, $0x2;
	v5 =	vadd.s32 v10, v5;
	v3 =	vadd.s32 v6, v3;
	v6 =	vand.u32 $0x7FFFF, v17;
	v7 =	vld [tilespmem:s22+$0x5A0F]  }
0xa2: {  	v5 =	vadd.s32 v6, v5;
	v3 =	vadd.s32 v16, v3;
	[tilespmem:s22+$0x5A0F] =	vst v0  }
0xa3: {  	v5 =	vadd.s32 v8, v5;
	v3 =	vadd.s32 v9, v3;
	v6 =	vshra.s32 v13, $0x13  }
0xa4: {  	v4 =	vadd.s32 v4, v5;
	v3 =	vadd.s32 v6, v3;
	v5 =	vand.u32 $0x7FFFF, v13  }
0xa5: {  	v6 =	vand.u32 $0x7FFFF, v11;
	v4 =	vadd.s32 v5, v4;
	v5 =	vshra.s32 v11, $0x13  }
0xa6: {  	[tilespmem:s22+$0x3008] =	vst v0;
	v3 =	vadd.s32 v5, v3;
	v4 =	vadd.s32 v6, v4;
	v5 =	vshra.s32 v7, $0x13  }
0xa7: {  	v3 =	vadd.s32 v5, v3;
	v5 =	vand.u32 $0x7FFFF, v7  }
0xa8: {  	v4 =	vadd.s32 v5, v4;
	[tilespmem:s22+$0x1E080] =	vst v3;
	s22 =	sand.u32 $0x7F0, s19;
	s19 =	smov.u32 s21;
	s21 =	smov.u32 s24  }
0xa9: {  	[tilespmem:s22+$0x1E680] =	vst v4;
	s22 =	smov.u32 s20;
	s20 =	smov.u32 s25  }
0xaa: {  	v3 =	vld [tilespmem:s22+$0x1804]  }
0xab: {  	v4 =	vld [tilespmem:s22+$0xC02]  }
0xac: {  	[tilespmem:s22+$0xC02] =	vst v0;
	v6 =	vld [tilespmem:s22+$0x1203]  }
0xad: {  	v7 =	vld [tilespmem:s22+$0x601];
	[tilespmem:s22+$0x1804] =	vst v0  }
0xae: {  	v8 =	vld [tilespmem:s22+$0x0];
	[tilespmem:s22+$0x601] =	vst v0  }
0xaf: {  	[tilespmem:s22+$0x0] =	vst v0;
	v12 =	vld [tilespmem:s22+$0x2A07]  }
0xb0: {  	v13 =	vld [tilespmem:s22+$0x1E05];
	[tilespmem:s22+$0x2A07] =	vst v0  }
0xb1: {  	v17 =	vshra.s32 v3, $0x13;
	v11 =	vshra.s32 v4, $0x13;
	v14 =	vshra.s32 v6, $0x13;
	[tilespmem:s22+$0x1E05] =	vst v0;
	v18 =	vld [tilespmem:s22+$0x2406]  }
0xb2: {  	v5 =	vand.u32 $0x7FFFF, v3;
	v9 =	vand.u32 $0x7FFFF, v4;
	v15 =	vshra.s32 v7, $0x13;
	[tilespmem:s22+$0x2406] =	vst v0;
	v3 =	vld [tilespmem:s22+$0x3609]  }
.Ltmp2:
0xb3: {  	v10 =	vand.u32 $0x7FFFF, v6;
	v4 =	vshra.s32 v8, $0x13;
	v16 =	vand.u32 $0x7FFFF, v8;
	[tilespmem:s22+$0x1203] =	vst v0;
	v8 =	vld [tilespmem:s22+$0x420B];
	(pc) =	sbr.rel @p1 .LBB2_7-.Ltmp2, $4  }
0xb4: {  	v19 =	vand.u32 $0x7FFFF, v7;
	v15 =	vadd.s32 v4, v15;
	v6 =	vshra.s32 v12, $0x13;
	[tilespmem:s22+$0x420B] =	vst v0;
	v4 =	vld [tilespmem:s22+$0x480C]  }
0xb5: {  	v7 =	vand.u32 $0x7FFFF, v12;
	v20 =	vadd.s32 v11, v15;
	v11 =	vand.u32 $0x7FFFF, v13;
	[tilespmem:s22+$0x480C] =	vst v0  }
0xb6: {  	v15 =	vadd.s32 v16, v19;
	v16 =	vshra.s32 v13, $0x13;
	v12 =	vadd.s32 v14, v20;
	[tilespmem:s22+$0x3609] =	vst v0  }
0xb7: {  	v14 =	vshra.s32 v18, $0x13;
	v13 =	vand.u32 $0x7FFFF, v18;
	v17 =	vadd.s32 v17, v12;
	v12 =	vld [tilespmem:s22+$0x3008]  }
0xb8: {  	v9 =	vadd.s32 v9, v15  }
0xb9: {  	v54 =	vadd.s32 v16, v17;
	v55 =	vshra.s32 v8, $0x13;
	v56 =	vld [tilespmem:s22+$0x3C0A];
	v57 =	vand.u32 $0x7FFFF, v3  }
0xba: {  	v58 =	vand.u32 $0x7FFFF, v8;
	v3 =	vshra.s32 v3, $0x13;
	v9 =	vadd.s32 v10, v9  }
0xbb: {  	v60 =	vld [tilespmem:s22+$0x4E0D];
	v59 =	vadd.s32 v14, v54;
	v15 =	vshra.s32 v4, $0x13;
	v5 =	vadd.s32 v5, v9  }
0xbc: {  	v17 =	vand.u32 $0x7FFFF, v4;
	v6 =	vadd.s32 v6, v59;
	v5 =	vadd.s32 v11, v5  }
0xbd: {  	v63 =	vld [tilespmem:s22+$0x540E];
	v5 =	vadd.s32 v13, v5;
	v61 =	vshra.s32 v12, $0x13;
	v62 =	vand.u32 $0x7FFFF, v12  }
0xbe: {  	v5 =	vadd.s32 v7, v5;
	v6 =	vadd.s32 v61, v6;
	v12 =	vshra.s32 v56, $0x13  }
0xbf: {  	v14 =	vld [tilespmem:s22+$0x5A0F];
	v13 =	vand.u32 $0x7FFFF, v56;
	v5 =	vadd.s32 v62, v5;
	v3 =	vadd.s32 v3, v6  }
0xc0: {  	v18 =	vshra.s32 v60, $0x13;
	v5 =	vadd.s32 v57, v5;
	v3 =	vadd.s32 v12, v3  }
0xc1: {  	[tilespmem:s22+$0x3C0A] =	vst v0;
	v19 =	vand.u32 $0x7FFFF, v60;
	v5 =	vadd.s32 v13, v5;
	v3 =	vadd.s32 v55, v3  }
0xc2: {  	[tilespmem:s22+$0x4E0D] =	vst v0;
	v20 =	vshra.s32 v63, $0x13;
	v5 =	vadd.s32 v58, v5;
	v3 =	vadd.s32 v15, v3  }
0xc3: {  	[tilespmem:s22+$0x540E] =	vst v0;
	v21 =	vand.u32 $0x7FFFF, v63;
	v4 =	vadd.s32 v17, v5;
	v3 =	vadd.s32 v18, v3  }
0xc4: {  	[tilespmem:s22+$0x3008] =	vst v0;
	v22 =	vshra.s32 v14, $0x13;
	v4 =	vadd.s32 v19, v4;
	v3 =	vadd.s32 v20, v3  }
0xc5: {  	[tilespmem:s22+$0x5A0F] =	vst v0;
	v23 =	vand.u32 $0x7FFFF, v14;
	v4 =	vadd.s32 v21, v4;
	v3 =	vadd.s32 v22, v3  }
0xc6: {  	s19 =	sand.u32 $0x7F0, s19;
	v4 =	vadd.s32 v23, v4;
	[tilespmem:s22+$0x1E080] =	vst v3  }
0xc7: {  	[tilespmem:s19+$0x1E680] =	vst v4  }
0xc8: {  	v3 =	vld [tilespmem:s20+$0x1804]  }
0xc9: {  	v4 =	vld [tilespmem:s20+$0xC02]  }
0xca: {  	v24 =	vld [tilespmem:s20+$0x1203]  }
0xcb: {  	v25 =	vld [tilespmem:s20+$0x601]  }
0xcc: {  	v26 =	vld [tilespmem:s20+$0x0]  }
0xcd: {  	v27 =	vld [tilespmem:s20+$0x2A07]  }
0xce: {  	v28 =	vld [tilespmem:s20+$0x1E05]  }
0xcf: {  	v29 =	vld [tilespmem:s20+$0x2406]  }
0xd0: {  	v30 =	vld [tilespmem:s20+$0x3609];
	v31 =	vshra.s32 v4, $0x13  }
0xd1: {  	v35 =	vld [tilespmem:s20+$0x420B];
	v32 =	vshra.s32 v24, $0x13;
	v33 =	vshra.s32 v3, $0x13;
	v34 =	vshra.s32 v25, $0x13  }
0xd2: {  	v4 =	vand.u32 $0x7FFFF, v4;
	v3 =	vand.u32 $0x7FFFF, v3;
	v36 =	vshra.s32 v26, $0x13  }
0xd3: {  	v7 =	vand.u32 $0x7FFFF, v26;
	v5 =	vand.u32 $0x7FFFF, v24;
	v6 =	vand.u32 $0x7FFFF, v25  }
0xd4: {  	v41 =	vld [tilespmem:s20+$0x3008];
	v18 =	vshra.s32 v27, $0x13;
	v38 =	vand.u32 $0x7FFFF, v28;
	v8 =	vand.u32 $0x7FFFF, v27  }
0xd5: {  	[tilespmem:s20+$0xC02] =	vst v0;
	v39 =	vshra.s32 v28, $0x13;
	v42 =	vshra.s32 v29, $0x13;
	v10 =	vand.u32 $0x7FFFF, v29  }
0xd6: {  	[tilespmem:s20+$0x1804] =	vst v0;
	v45 =	vld [tilespmem:s20+$0x3C0A];
	v44 =	vshra.s32 v35, $0x13;
	v46 =	vand.u32 $0x7FFFF, v30;
	v15 =	vadd.s32 v36, v34  }
0xd7: {  	[tilespmem:s20+$0x601] =	vst v0;
	v37 =	vld [tilespmem:s20+$0x480C];
	v47 =	vand.u32 $0x7FFFF, v35;
	v6 =	vadd.s32 v7, v6;
	v12 =	vadd.s32 v31, v15  }
0xd8: {  	[tilespmem:s20+$0x0] =	vst v0;
	v49 =	vshra.s32 v30, $0x13;
	v4 =	vadd.s32 v4, v6;
	v12 =	vadd.s32 v32, v12  }
0xd9: {  	[tilespmem:s20+$0x2A07] =	vst v0;
	v50 =	vld [tilespmem:s20+$0x4E0D];
	v51 =	vshra.s32 v41, $0x13;
	v4 =	vadd.s32 v5, v4;
	v40 =	vadd.s32 v33, v12  }
0xda: {  	[tilespmem:s20+$0x1E05] =	vst v0;
	v52 =	vand.u32 $0x7FFFF, v41;
	v3 =	vadd.s32 v3, v4;
	v43 =	vadd.s32 v39, v40  }
0xdb: {  	[tilespmem:s20+$0x2406] =	vst v0;
	v54 =	vshra.s32 v45, $0x13;
	v3 =	vadd.s32 v38, v3;
	v48 =	vadd.s32 v42, v43  }
0xdc: {  	[tilespmem:s20+$0x1203] =	vst v0;
	v53 =	vld [tilespmem:s20+$0x540E];
	v56 =	vshra.s32 v37, $0x13;
	v3 =	vadd.s32 v10, v3;
	v4 =	vadd.s32 v18, v48  }
0xdd: {  	[tilespmem:s20+$0x420B] =	vst v0;
	v57 =	vand.u32 $0x7FFFF, v37;
	v3 =	vadd.s32 v8, v3;
	v4 =	vadd.s32 v51, v4  }
0xde: {  	[tilespmem:s20+$0x480C] =	vst v0;
	v55 =	vld [tilespmem:s20+$0x5A0F];
	v58 =	vshra.s32 v50, $0x13;
	v3 =	vadd.s32 v52, v3;
	v4 =	vadd.s32 v49, v4  }
0xdf: {  	[tilespmem:s20+$0x3609] =	vst v0;
	v5 =	vand.u32 $0x7FFFF, v45;
	v3 =	vadd.s32 v46, v3;
	v4 =	vadd.s32 v54, v4  }
0xe0: {  	[tilespmem:s20+$0x3C0A] =	vst v0;
	v59 =	vand.u32 $0x7FFFF, v50;
	v3 =	vadd.s32 v5, v3;
	v4 =	vadd.s32 v44, v4  }
0xe1: {  	[tilespmem:s20+$0x4E0D] =	vst v0;
	v60 =	vshra.s32 v53, $0x13;
	v3 =	vadd.s32 v47, v3;
	v4 =	vadd.s32 v56, v4  }
0xe2: {  	s18 =	sshll.u32 s18, $0x5;
	[tilespmem:s20+$0x540E] =	vst v0;
	v61 =	vand.u32 $0x7FFFF, v53;
	v3 =	vadd.s32 v57, v3;
	v4 =	vadd.s32 v58, v4  }
0xe3: {  	s18 =	sor.u32 s2, s18;
	[tilespmem:s20+$0x5A0F] =	vst v0;
	v62 =	vshra.s32 v55, $0x13;
	v3 =	vadd.s32 v59, v3;
	v4 =	vadd.s32 v60, v4  }
0xe4: {  	s18 =	smul.u32 $0x180, s18;
	[tilespmem:s20+$0x3008] =	vst v0;
	v63 =	vand.u32 $0x7FFFF, v55;
	v3 =	vadd.s32 v61, v3;
	v4 =	vadd.s32 v62, v4  }
0xe5: {  	s31 =	sand.u32 $0x7F0, s21;
	p1 =	sne.s32 s17, $0x15;
	v3 =	vadd.s32 v63, v3;
	[tilespmem:s20+$0x1E080] =	vst v4  }
.Ltmp3:
0xe6: {  	s18 =	sadd.s32 s6, s18;
	[tilespmem:s31+$0x1E680] =	vst v3;
	(pc) =	sbr.rel @p1 .LBB2_4-.Ltmp3, $4  }
0xe7: {  	[hbm4b:s18+s3] =	stream.linear.scatter [tilespmem:s15], [sflag:$0x2], $0xC00, $0x38;
	[tilespmem:$0x1EC80] =	vst v63  }
0xe8: {  	_ =	swait.ge [sflag:s14], $0xC00  }
0xe9: {  	[sflag:s14] =	ssyncset.done $0x0  }
0xea: {  	p0 =	por !p0, !p0;
	s18 =	smov.u32 s17;
	[sflag:s14] =	ssyncadd.s32 $0xFFFFF400  }
0xeb: {  	s16 =	sadd.s32 $0x1, s16  }
0xec: {  	p0 =	sne.s32 s16, s11  }
.Ltmp4:
0xed: {  	_ = 	snop;
	(pc) =	sbr.rel @p0 .LBB2_1-.Ltmp4, $1  }
0xee: {  	_ =	sdelay $0x3  }
0xef: {  	_ =	sfence.sel $0x180000  }
0xf0: {  	[bflag:$0x0] =	sbarrier.arrive $0xFFFF  }
0xf1: {  	p0 =	sne.s32 s0, $0x0;
	_ =	strace $0x9000004A  }
0xf2: {  	s0 =	sadd.s32 @!p0 $0x100000, s1;
	[bflag:$0x2] =	sbarrier.arrive $0xFFFF  }
0xf3: {  	[sflag:s0] =	ssyncadd.tile.s32 @!p0 $0x1;
	_ =	shalt  }
.Lfunc_end2:
_tile_overlayer_lowered:
.L_overlay_start_2:
0xf4: {  	(tag) =	ssettag $0x2  }
0xf5: {  	s0 =	rddreg [dreg:$0x0];
	s2 =	stileid.u32  }
0xf6: {  	s1 =	rddreg [dreg:$0x1];
	p0 =	sne.s32 s2, $0x0  }
0xf7: {  	s3 =	rddreg [dreg:$0x2];
	[bflag:$0x3] =	sbarrier.arrive $0xFFFF;
	s2 =	simm.s32 @!p0 $0x1C02  }
0xf8: {  	[timem:s3], [sflag:s2] =	dma.local @!p0 [hbm:s0], s1  }
0xf9: {  	s0 =	simm.s32 @!p0 $0x2  }
0xfa: {  	_ =	swait.ge @!p0 [sflag:s0], s1  }
0xfb: {  	s1 =	ssub.s32 @!p0 $0x0, s1;
	[sflag:s0] =	ssyncset.done @!p0 $0x0  }
0xfc: {  	[sflag:s0] =	ssyncadd.s32 @!p0 s1  }
0xfd: {  	[bflag:$0x3] =	sbarrier.arrive $0xFFFF  }
0xfe: {  	_ =	shalt  }

// kernel: sparse-core-data-format-call.cloned.1.call-start
scs
called_computation_lowered:
.L_overlay_start_0:
0x0: {  	s2 =	sld [smem:$0x3FD9]  }
0x1: {  	s3 =	sld [smem:$0x3FFE];
	_ =	sdelay $0x1  }
0x2: {  	s1 =	srdreg.scid  }
0x3: {  	s0 =	sand.u32 $0x1, s1  }
0x4: {  	s18 =	sshll.u32 s0, $0xA;
	s2 =	sadd.s32 s3, s2  }
0x5: {  	s2 =	sadd.s32 s2, s18  }
0x6: {  	[smem:$0x3FC6] =	sst s2  }
0x7: {  	_ = 	snop  }
0x8: {  	s2 =	sld [smem:$0x3FC9];
	(tm) =	ssettm $0x1  }
0x9: {  	s19 =	sld [smem:$0x3FFB];
	_ =	sdelay $0x3  }
0xa: {  	_ =	strace s19  }
0xb: {  	s3 =	sld [smem:$0x3FFC];
	_ =	sdelay $0x3  }
0xc: {  	_ =	strace s3  }
0xd: {  	s3 =	sld [smem:$0x3FFD];
	_ =	sdelay $0x3  }
0xe: {  	_ =	strace s3  }
0xf: {  	_ =	strace $0x8FFFFFFF  }
0x10: {  	s20 =	sld [smem:$0x3FDB];
	_ =	sdelay $0x1  }
0x11: {  	s4 =	simm.s32 $_scs_section_size  }
0x12: {  	s5 =	simm.s32 $_size__tile_overlayer_lowered;
	s6 =	simm.s32 $_tile_overlayer_lowered  }
0x13: {  	s23 =	simm.s32 $0x1BFF;
	s22 =	sshll.u32 s6, $0x1;
	s3 =	sadd.s32 s4, s20  }
0x14: {  	s7 =	simm.s32 $0x0;
	s21 =	sshll.u32 s5, $0x1;
	s5 =	sadd.s32 s22, s3  }
0x15: {  	[timem:s7], [sflag:s23] =	dma.local [hbm:s5], s21  }
0x16: {  	_ =	swait.ge [sflag:s23], s21  }
0x17: {  	s4 =	ssub.s32 $0x0, s21;
	[sflag:s23] =	ssyncset.done $0x0  }
0x18: {  	[sflag:s23] =	ssyncadd.s32 s4;
	_ =	sdelay $0x1  }
0x19: {  	s24 =	simm.s32 $0x1B8B  }
0x1a: {  	_ =	swait.ge [sflag:s24], $0x1  }
0x1b: {  	[sflag:s24] =	ssyncset.done $0x0  }
0x1c: {  	s26 =	simm.s32 $0x1B8E;
	s25 =	sld [smem:$0x3FFE];
	[sflag:s24] =	ssyncadd.s32 $0xFFFFFFFF  }
0x1d: {  	s27 =	simm.s32 $execute0_lowered;
	[smem:$0x3FD2] =	sst s26  }
0x1e: {  	s5 =	sshll.u32 s27, $0x1;
	_ =	strace $0x80000046;
	[dreg:$0x1] =	wrdreg $0xFFFFFFFF  }
0x1f: {  	s28 =	simm.s32 $_size_execute0_lowered;
	s3 =	sadd.s32 s3, s5;
	[dreg:$0x0] =	wrdreg $0x0  }
0x20: {  	s5 =	sshll.u32 s28, $0x1;
	[dreg:$0x2] =	wrdreg s3  }
0x21: {  	[dreg:$0x3] =	wrdreg s5  }
0x22: {  	[dreg:$0x4] =	wrdreg $0xC0  }
0x23: {  	_ =	task [dreg:s7], $0x5FFFF  }
0x24: {  	[dreg:$0x1] =	wrdreg $0xFFFFFFFF  }
0x25: {  	[dreg:$0x0] =	wrdreg $0x60  }
0x26: {  	[dreg:$0x2] =	wrdreg s2  }
0x27: {  	[dreg:$0x3] =	wrdreg s25  }
0x28: {  	[dreg:$0x4] =	wrdreg $0x9  }
0x29: {  	_ =	task.clear_ibuf [dreg:s7], $0x5FFFF;
	_ =	strace $0x90000046  }
0x2a: {  	s29 =	simm.s32 $0x9;
	_ =	strace $0x80000048  }
0x2b: {  	_ =	swait.ge [sflag:s29], $0x1  }
0x2c: {  	[sflag:s29] =	ssyncadd.s32 $0xFFFFFFFF  }
0x2d: {  	_ =	strace $0x90000048  }
0x2e: {  	_ =	sfence  }
0x2f: {  	s30 =	sld [smem:$0x0];
	_ =	sdelay $0x2  }
0x30: {  	s31 =	sshll.u32 s1, $0xD;
	s1 =	sshrl.u32 s1, $0x2  }
0x31: {  	s3 =	sand.u32 $0x4000, s31;
	s1 =	sadd.s32 s1, s30  }
0x32: {  	s0 =	sor.u32 s3, s0;
	s1 =	sshll.u32 s1, $0x11  }
0x33: {  	s0 =	sor.u32 s1, s0  }
0x34: {  	s0 =	sadd.s32 $0x8F2B, s0  }
0x35: {  	[sflag:s0] =	ssyncadd.remote.s32 $0x1  }
0x36: {  	_ =	sfence.sel $0xFFFF  }
0x37: {  	[dreg:$0x0] =	wrdreg $0xFFFFFFFF;
	(pc) =	sbr.abs _section_cstart, $3  }
0x38: {  	[dreg:$0x1] =	wrdreg $0xFFFFFFFF  }
0x39: {  	_ =	task.clear_ibuf [dreg:s7], $0x2FFFF;
	_ =	strace $0x9FFFFFFF  }
0x3a: {  	(tm) =	ssettm $0x7FFFFFFF  }
0x3b: {  	_ =	shalt  }
tec
execute0_lowered:
.L_overlay_start_1:
0x0: {  	(tag) =	ssettag $0x1  }
0x1: {  	s0 =	srdreg.scid  }
0x2: {  	s1 =	sshll.u32 s0, $0x4  }
0x3: {  	s2 =	rddreg [dreg:$0x0];
	s0 =	stileid.u32;
	s1 =	sand.u32 $0x10, s1  }
0x4: {  	s4 =	rddreg [dreg:$0x1];
	s7 =	simm.s32 $0x1;
	s1 =	sor.u32 s0, s1  }
0x5: {  	s8 =	simm.s32 $0x2;
	s9 =	simm.s32 $0x0;
	s3 =	sshll.u32 s1, $0x2  }
0x6: {  	s12 =	simm.s32 $0x0;
	s11 =	simm.s32 $0x0;
	s6 =	ssub.s32 $0x1500, s3  }
.Ltmp0:
0x7: {  	s4 =	sadd.s32 $0x200, s4;
	s5 =	sand.u32 $0x7C, s6;
	(pc) =	sbr.rel .LBB1_1-.Ltmp0, $4  }
0x8: {  	s1 =	rddreg [dreg:$0x2];
	_ =	strace $0x80000047;
	p0 =	sne.s32 s5, $0x0  }
0x9: {  	s6 =	sshrl.u32 s6, $0x7;
	s5 =	simm.s32 $0x1;
	s7 =	simm.s32 @!p0 $0x0  }
0xa: {  	s10 =	smov.u32 s3;
	[sflag:s5] =	ssyncpa.u1 $0x0;
	s6 =	sadd.s32 s7, s6  }
0xb: {  	[sflag:s8] =	ssyncpa.u1 $0x0;
	s8 =	simm.s32 $0x0;
	s7 =	sadd.s32 $0x1, s6  }
.LBB1_9:
0xc: {  	s14 =	sadd.s32 $0x80, s10  }
0xd: {  	p1 =	sgt.s32 s14, $0x14FF  }
0xe: {  	s14 =	smov.u32 @p1 s3;
	p1 =	sne.s32 s11, s7  }
.Ltmp1:
0xf: {  	p0 =	slt.u32 s11, $0x2;
	(pc) =	sbr.rel @!p1 .LBB1_10-.Ltmp1, $4  }
0x10: {  	s13 =	simm.s32 @!p0 $0x2  }
0x11: {  	s15 =	sadd.s32 $0x1, s11;
	_ =	swait.ge @!p0 [sflag:s13], $0x4000  }
0x12: {  	s12 =	smov.u32 s10;
	s9 =	sadd.s32 $0x4000, s9;
	[sflag:s13] =	ssyncset.done @!p0 $0x0  }
0x13: {  	s11 =	smov.u32 s15;
	s10 =	smov.u32 s14;
	[sflag:s13] =	ssyncadd.s32 @!p0 $0xFFFFC000  }
.LBB1_1:
0x14: {  	p0 =	sge.u32 s11, s6  }
0x15: {  	s13 =	sxor.u32 @!p0 $0xFFFFFFFF, s11  }
0x16: {  	s31 =	sadd.s32 $0xFFFFFFFF, s11;
	s14 =	sshll.u32 @!p0 s10, $0x9;
	s13 =	sshll.u32 @!p0 s13, $0xE  }
0x17: {  	s15 =	simm.s32 @!p0 $0x0;
	s14 =	sadd.s32 @!p0 s2, s14;
	s13 =	sand.u32 @!p0 $0x4000, s13  }
0x18: {  	[tilespmem:s13], [sflag:$0x1] =	stream.linear.gather @!p0 [hbm4b:s14+s15], $0x4000, $0x38;
	[tilespmem:$0x10000] =	vst v63  }
0x19: {  	p0 =	sge.u32 s31, s6  }
.Ltmp2:
0x1a: {  	_ = 	snop;
	(pc) =	sbr.rel @p0 .LBB1_9-.Ltmp2, $1  }
0x1b: {  	_ =	sdelay $0x3  }
0x1c: {  	s14 =	sand.u32 $0x4000, s9  }
0x1d: {  	_ =	swait.ge [sflag:s5], $0x4000;
	s15 =	sshll.u32 s11, $0xE;
	s16 =	simm.s32 $0x0  }
0x1e: {  	s13 =	sor.u32 $0x40, s14;
	[sflag:s5] =	ssyncset.done $0x0;
	s15 =	sand.u32 $0x4000, s15  }
0x1f: {  	s14 =	sor.u32 $0x8040, s14;
	[sflag:s5] =	ssyncadd.s32 $0xFFFFC000;
	s15 =	sor.u32 $0x8000, s15  }
.LBB1_3:
0x20: {  	s17 =	smov.u32 s14;
	s18 =	smov.u32 s13;
	s19 =	simm.s32 $0x0  }
.LBB1_4:
0x21: {  	v0 =	vmov s17;
	v2 =	vld [tilespmem:s18+$0x30]  }
0x22: {  	v4 =	vld [tilespmem:s18+$0xFFFFFFD0]  }
0x23: {  	v6 =	vld [tilespmem:s18+$0xFFFFFFE0]  }
0x24: {  	v7 =	vld [tilespmem:s18+$0xFFFFFFF0]  }
0x25: {  	s20 =	simm.s32 $0x0;
	v1 =	vld [tilespmem:s18+$0x0]  }
0x26: {  	v3 =	vld [tilespmem:s18+$0x10];
	[tilespmem:v0+s20+$0x30 ss:$0x1] =	vst.idx.msk $0xffff, v2  }
0x27: {  	v5 =	vld [tilespmem:s18+$0x20];
	[tilespmem:v0+s20+$0xFFFFFFD0 ss:$0x1] =	vst.idx.msk $0xffff, v4  }
0x28: {  	s21 =	sadd.s32 $0x80, s18;
	v2 =	vld [tilespmem:s18+$0xFFFFFFC0];
	[tilespmem:v0+s20+$0xFFFFFFE0 ss:$0x1] =	vst.idx.msk $0xffff, v6  }
0x29: {  	s22 =	simm.s32 $0x800;
	s23 =	simm.s32 $0x1000;
	v4 =	vld [tilespmem:s21+$0x30];
	[tilespmem:v0+s20+$0xFFFFFFF0 ss:$0x1] =	vst.idx.msk $0xffff, v7  }
.LBB1_5:
0x2a: {  	p0 =	sne.s32 s23, $0x3800;
	v6 =	vld [tilespmem:s21+$0xFFFFFFD0];
	[tilespmem:v0+s20+$0x0 ss:$0x1] =	vst.idx.msk $0xffff, v1  }
0x2b: {  	v7 =	vld [tilespmem:s21+$0xFFFFFFE0];
	[tilespmem:v0+s20+$0x10 ss:$0x1] =	vst.idx.msk $0xffff, v3  }
0x2c: {  	v8 =	vld [tilespmem:s21+$0xFFFFFFF0];
	[tilespmem:v0+s20+$0x20 ss:$0x1] =	vst.idx.msk $0xffff, v5  }
.Ltmp3:
0x2d: {  	v1 =	vld [tilespmem:s21+$0x0];
	[tilespmem:v0+s20+$0xFFFFFFC0 ss:$0x1] =	vst.idx.msk $0xffff, v2;
	s20 =	sshra.s32 s22, $0x2;
	s22 =	smov.u32 s23;
	(pc) =	sbr.rel @p0 .LBB1_5-.Ltmp3, $4  }
0x2e: {  	v3 =	vld [tilespmem:s21+$0x10];
	[tilespmem:v0+s20+$0x30 ss:$0x1] =	vst.idx.msk $0xffff, v4  }
0x2f: {  	[tilespmem:v0+s20+$0xFFFFFFD0 ss:$0x1] =	vst.idx.msk $0xffff, v6;
	v5 =	vld [tilespmem:s21+$0x20]  }
0x30: {  	v2 =	vld [tilespmem:s21+$0xFFFFFFC0];
	[tilespmem:v0+s20+$0xFFFFFFE0 ss:$0x1] =	vst.idx.msk $0xffff, v7;
	s21 =	sadd.s32 $0x80, s21  }
0x31: {  	s23 =	sadd.s32 $0x800, s23;
	v4 =	vld [tilespmem:s21+$0x30];
	[tilespmem:v0+s20+$0xFFFFFFF0 ss:$0x1] =	vst.idx.msk $0xffff, v8  }
0x32: {  	_ =	sdelay $0x3  }
0x33: {  	v6 =	vld [tilespmem:s21+$0xFFFFFFD0];
	[tilespmem:v0+s20+$0x0 ss:$0x1] =	vst.idx.msk $0xffff, v1  }
0x34: {  	v58 =	vld [tilespmem:s21+$0xFFFFFFE0];
	[tilespmem:v0+s20+$0x10 ss:$0x1] =	vst.idx.msk $0xffff, v3  }
0x35: {  	v59 =	vld [tilespmem:s21+$0xFFFFFFF0];
	[tilespmem:v0+s20+$0x20 ss:$0x1] =	vst.idx.msk $0xffff, v5  }
0x36: {  	s22 =	sshra.s32 s22, $0x2;
	v60 =	vld [tilespmem:s21+$0x0];
	[tilespmem:v0+s20+$0xFFFFFFC0 ss:$0x1] =	vst.idx.msk $0xffff, v2  }
0x37: {  	v61 =	vld [tilespmem:s21+$0x10];
	[tilespmem:v0+s22+$0x30 ss:$0x1] =	vst.idx.msk $0xffff, v4  }
0x38: {  	v62 =	vld [tilespmem:s21+$0x20];
	s19 =	sadd.s32 $0x1, s19;
	[tilespmem:v0+s22+$0xFFFFFFD0 ss:$0x1] =	vst.idx.msk $0xffff, v6  }
0x39: {  	v63 =	vld [tilespmem:s21+$0xFFFFFFC0];
	p0 =	sne.s32 s19, $0x4;
	[tilespmem:v0+s22+$0xFFFFFFE0 ss:$0x1] =	vst.idx.msk $0xffff, v58  }
.Ltmp4:
0x3a: {  	[tilespmem:v0+s22+$0xFFFFFFF0 ss:$0x1] =	vst.idx.msk $0xffff, v59;
	(pc) =	sbr.rel @p0 .LBB1_4-.Ltmp4, $4  }
0x3b: {  	[tilespmem:v0+s22+$0x0 ss:$0x1] =	vst.idx.msk $0xffff, v60  }
0x3c: {  	[tilespmem:v0+s22+$0x10 ss:$0x1] =	vst.idx.msk $0xffff, v61  }
0x3d: {  	[tilespmem:v0+s22+$0x20 ss:$0x1] =	vst.idx.msk $0xffff, v62  }
0x3e: {  	s18 =	sadd.s32 $0x400, s18;
	s17 =	sadd.s32 $0x80, s17;
	[tilespmem:v0+s22+$0xFFFFFFC0 ss:$0x1] =	vst.idx.msk $0xffff, v63  }
0x3f: {  	s16 =	sadd.s32 $0x1, s16  }
0x40: {  	p0 =	sne.s32 s16, $0x4  }
.Ltmp5:
0x41: {  	_ = 	snop;
	(pc) =	sbr.rel @p0 .LBB1_3-.Ltmp5, $2  }
0x42: {  	_ =	sdelay $0x2  }
0x43: {  	s13 =	sadd.s32 $0x1000, s13;
	s14 =	sadd.s32 $0x1000, s14  }
.Ltmp6:
0x44: {  	(pc) =	sbr.rel .LBB1_9-.Ltmp6, $4  }
0x45: {  	_ = 	snop  }
0x46: {  	s12 =	sshll.u32 s12, $0x9  }
0x47: {  	s12 =	sadd.s32 s4, s12  }
0x48: {  	[hbm4b:s12+s8] =	stream.linear.scatter [tilespmem:s15], [sflag:$0x2], $0x4000, $0x38;
	[tilespmem:$0x10000] =	vst v63  }
.LBB1_10:
0x49: {  	_ =	sfence.sel $0x180000  }
0x4a: {  	s2 =	simm.s32 $0x1;
	[bflag:$0x0] =	sbarrier.arrive $0xFFFF  }
0x4b: {  	s31 =	simm.s32 $0x2;
	[sflag:s2] =	ssyncpa.u1 $0x1  }
0x4c: {  	[sflag:s31] =	ssyncpa.u1 $0x1  }
0x4d: {  	p0 =	sne.s32 s0, $0x0;
	_ =	strace $0x90000047  }
0x4e: {  	s0 =	sadd.s32 @!p0 $0x100000, s1;
	[bflag:$0x2] =	sbarrier.arrive $0xFFFF  }
0x4f: {  	[sflag:s0] =	ssyncadd.tile.s32 @!p0 $0x1;
	_ =	shalt  }
.Lfunc_end1:
_tile_overlayer_lowered:
.L_overlay_start_2:
0x50: {  	(tag) =	ssettag $0x2  }
0x51: {  	s0 =	rddreg [dreg:$0x0];
	s2 =	stileid.u32  }
0x52: {  	s1 =	rddreg [dreg:$0x1];
	p0 =	sne.s32 s2, $0x0  }
0x53: {  	s3 =	rddreg [dreg:$0x2];
	[bflag:$0x3] =	sbarrier.arrive $0xFFFF;
	s2 =	simm.s32 @!p0 $0x1C01  }
0x54: {  	[timem:s3], [sflag:s2] =	dma.local @!p0 [hbm:s0], s1  }
0x55: {  	s0 =	simm.s32 @!p0 $0x1  }
0x56: {  	_ =	swait.ge @!p0 [sflag:s0], s1  }
0x57: {  	s1 =	ssub.s32 @!p0 $0x0, s1;
	[sflag:s0] =	ssyncset.done @!p0 $0x0  }
0x58: {  	[sflag:s0] =	ssyncadd.s32 @!p0 s1  }
0x59: {  	[bflag:$0x3] =	sbarrier.arrive $0xFFFF  }
0x5a: {  	_ =	shalt  }

</sc_bundles>
